<compile_context>
chip_gen: v7x
topology: tpu7x:2x2x1
jax: 0.10.2.dev20260603
libtpu: 0.0.44.dev20260713+nightly
codegen_flags: <defaults>
</compile_context>

<pallas_src>
import functools

import jax
import jax.numpy as jnp
from jax import lax
from jax.experimental import pallas as pl
from jax.experimental.pallas import tpu as pltpu
from jax.experimental.pallas import tpu_sc as plsc

N_NODES = 10000
FEATS = 128
HFEATS = FEATS // 2
N_EDGES = 320000

NC, NS, L = 2, 16, 16
CHUNK = 125
A_EPW = N_EDGES // NS
A_NCHUNK = A_EPW // CHUNK
NPAD = 10240
RPS = NPAD // NS
ZROWS = 128


def _agg_kernel_body(f0, f1, srcs, dsts, acc_out,
                     src_v, dst_v, rows0, rows1, zbuf, acc_sh, sem0, sem1):
    c = lax.axis_index("c")
    s = lax.axis_index("s")
    base = s * RPS

    pltpu.async_copy(srcs.at[s], src_v, sem0)
    pltpu.async_copy(dsts.at[s], dst_v, sem1)

    zero16 = jnp.zeros((L,), jnp.float32)

    def zloop(i, carry):
        for j in range(HFEATS // L):
            zbuf[i, pl.ds(j * L, L)] = zero16
        return carry

    lax.fori_loop(0, ZROWS, zloop, 0)
    for k in range(RPS // ZROWS):
        pltpu.sync_copy(zbuf, acc_sh.at[pl.ds(base + k * ZROWS, ZROWS)])

    pltpu.make_async_copy(srcs.at[s], src_v, sem0).wait()
    pltpu.make_async_copy(dsts.at[s], dst_v, sem1).wait()

    plsc.subcore_barrier()

    def start_gather(j, rows, sem):
        @pl.when(c == 0)
        def _():
            pltpu.async_copy(f0.at[src_v.at[j]], rows, sem)

        @pl.when(c == 1)
        def _():
            pltpu.async_copy(f1.at[src_v.at[j]], rows, sem)

    def wait_gather(rows, sem):
        pltpu.make_async_copy(f0.at[src_v.at[0]], rows, sem).wait()

    start_gather(0, rows0, sem0)

    def chunk_pair(i, carry):
        j = 2 * i
        start_gather(j + 1, rows1, sem1)
        wait_gather(rows0, sem0)
        pltpu.sync_copy(rows0, acc_sh.at[dst_v.at[j]], add=True)

        @pl.when(i + 1 < A_NCHUNK // 2)
        def _():
            start_gather(j + 2, rows0, sem0)

        wait_gather(rows1, sem1)
        pltpu.sync_copy(rows1, acc_sh.at[dst_v.at[j + 1]], add=True)
        return carry

    lax.fori_loop(0, A_NCHUNK // 2, chunk_pair, 0)

    plsc.subcore_barrier()

    pltpu.sync_copy(acc_sh.at[pl.ds(base, RPS)],
                    acc_out.at[c, pl.ds(base, RPS)])


def _agg_deg_kernel_body(f0, f1, srcs, dsts, acc_out, deg_out,
                         src_v, dst_v, rows0, rows1, ones_v, zbuf, dzbuf,
                         acc_sh, deg_sh, sem0, sem1):
    c = lax.axis_index("c")
    s = lax.axis_index("s")
    base = s * RPS

    pltpu.async_copy(srcs.at[s], src_v, sem0)
    pltpu.async_copy(dsts.at[s], dst_v, sem1)

    zero16 = jnp.zeros((L,), jnp.float32)

    def zloop(i, carry):
        for j in range(HFEATS // L):
            zbuf[i, pl.ds(j * L, L)] = zero16
        return carry

    lax.fori_loop(0, ZROWS, zloop, 0)
    for k in range(RPS // ZROWS):
        pltpu.sync_copy(zbuf, acc_sh.at[pl.ds(base + k * ZROWS, ZROWS)])

    def dzloop(i, carry):
        dzbuf[i, :] = zero16
        return carry

    lax.fori_loop(0, ZROWS, dzloop, 0)
    for k in range(RPS // ZROWS):
        pltpu.sync_copy(dzbuf, deg_sh.at[pl.ds(base + k * ZROWS, ZROWS)])

    one16 = jnp.ones((L,), jnp.float32)

    def oloop(i, carry):
        ones_v[i, :] = one16
        return carry

    lax.fori_loop(0, CHUNK, oloop, 0)

    pltpu.make_async_copy(srcs.at[s], src_v, sem0).wait()
    pltpu.make_async_copy(dsts.at[s], dst_v, sem1).wait()

    plsc.subcore_barrier()

    def start_gather(j, rows, sem):
        @pl.when(c == 0)
        def _():
            pltpu.async_copy(f0.at[src_v.at[j]], rows, sem)

        @pl.when(c == 1)
        def _():
            pltpu.async_copy(f1.at[src_v.at[j]], rows, sem)

    def wait_gather(rows, sem):
        pltpu.make_async_copy(f0.at[src_v.at[0]], rows, sem).wait()

    start_gather(0, rows0, sem0)

    def chunk_pair(i, carry):
        j = 2 * i
        start_gather(j + 1, rows1, sem1)

        @pl.when(c == 0)
        def _():
            pltpu.sync_copy(ones_v, deg_sh.at[dst_v.at[j]], add=True)

        @pl.when(c == 1)
        def _():
            pltpu.sync_copy(ones_v, deg_sh.at[dst_v.at[j + 1]], add=True)

        wait_gather(rows0, sem0)
        pltpu.sync_copy(rows0, acc_sh.at[dst_v.at[j]], add=True)

        @pl.when(i + 1 < A_NCHUNK // 2)
        def _():
            start_gather(j + 2, rows0, sem0)

        wait_gather(rows1, sem1)
        pltpu.sync_copy(rows1, acc_sh.at[dst_v.at[j + 1]], add=True)
        return carry

    lax.fori_loop(0, A_NCHUNK // 2, chunk_pair, 0)

    plsc.subcore_barrier()

    pltpu.sync_copy(acc_sh.at[pl.ds(base, RPS)],
                    acc_out.at[c, pl.ds(base, RPS)])
    pltpu.sync_copy(deg_sh.at[pl.ds(base, RPS)],
                    deg_out.at[c, pl.ds(base, RPS)])


@functools.lru_cache(maxsize=None)
def _make_agg():
    mesh = plsc.VectorSubcoreMesh(core_axis_name="c", subcore_axis_name="s",
                                  num_cores=NC, num_subcores=NS)
    return pl.kernel(
        _agg_kernel_body,
        out_type=jax.ShapeDtypeStruct((NC, NPAD, HFEATS), jnp.float32),
        mesh=mesh,
        compiler_params=pltpu.CompilerParams(use_tc_tiling_on_sc=False),
        scratch_types=[
            pltpu.VMEM((A_NCHUNK, CHUNK), jnp.int32),
            pltpu.VMEM((A_NCHUNK, CHUNK), jnp.int32),
            pltpu.VMEM((CHUNK, HFEATS), jnp.float32),
            pltpu.VMEM((CHUNK, HFEATS), jnp.float32),
            pltpu.VMEM((ZROWS, HFEATS), jnp.float32),
            pltpu.VMEM_SHARED((NPAD, HFEATS), jnp.float32),
            pltpu.SemaphoreType.DMA,
            pltpu.SemaphoreType.DMA,
        ],
    )


@functools.lru_cache(maxsize=None)
def _make_agg_deg():
    mesh = plsc.VectorSubcoreMesh(core_axis_name="c", subcore_axis_name="s",
                                  num_cores=NC, num_subcores=NS)
    return pl.kernel(
        _agg_deg_kernel_body,
        out_type=[jax.ShapeDtypeStruct((NC, NPAD, HFEATS), jnp.float32),
                  jax.ShapeDtypeStruct((NC, NPAD, L), jnp.float32)],
        mesh=mesh,
        compiler_params=pltpu.CompilerParams(use_tc_tiling_on_sc=False),
        scratch_types=[
            pltpu.VMEM((A_NCHUNK, CHUNK), jnp.int32),
            pltpu.VMEM((A_NCHUNK, CHUNK), jnp.int32),
            pltpu.VMEM((CHUNK, HFEATS), jnp.float32),
            pltpu.VMEM((CHUNK, HFEATS), jnp.float32),
            pltpu.VMEM((CHUNK, L), jnp.float32),
            pltpu.VMEM((ZROWS, HFEATS), jnp.float32),
            pltpu.VMEM((ZROWS, L), jnp.float32),
            pltpu.VMEM_SHARED((NPAD, HFEATS), jnp.float32),
            pltpu.VMEM_SHARED((NPAD, L), jnp.float32),
            pltpu.SemaphoreType.DMA,
            pltpu.SemaphoreType.DMA,
        ],
    )


def _dense_body(relu, p_ref, d_ref, x_ref, wl_ref, bl_ref, wr_ref, o_ref):
    p = jnp.concatenate([p_ref[0], p_ref[1]], axis=1)
    d = d_ref[0] + d_ref[1]
    deg = jnp.maximum(d[:, 0:1], 1.0)
    mean = p / deg
    xf = jnp.concatenate([x_ref[0], x_ref[1]], axis=1)
    for t in range(2):
        acc = lax.dot_general(mean, wl_ref[t], (((1,), (1,)), ((), ())),
                              preferred_element_type=jnp.float32)
        acc = acc + bl_ref[t]
        acc = acc + lax.dot_general(xf, wr_ref[t], (((1,), (1,)), ((), ())),
                                    preferred_element_type=jnp.float32)
        if relu:
            acc = jnp.maximum(acc, 0.0)
        o_ref[t] = acc


def _dense(parts, deg, xs, Wl, bl, Wr, relu):
    R = 2000
    grid = (N_NODES // R,)
    return pl.pallas_call(
        functools.partial(_dense_body, relu),
        grid=grid,
        in_specs=[
            pl.BlockSpec((2, R, HFEATS), lambda i: (0, i, 0)),
            pl.BlockSpec((2, R, L), lambda i: (0, i, 0)),
            pl.BlockSpec((2, R, HFEATS), lambda i: (0, i, 0)),
            pl.BlockSpec((2, HFEATS, FEATS), lambda i: (0, 0, 0)),
            pl.BlockSpec((2, 1, HFEATS), lambda i: (0, 0, 0)),
            pl.BlockSpec((2, HFEATS, FEATS), lambda i: (0, 0, 0)),
        ],
        out_specs=pl.BlockSpec((2, R, HFEATS), lambda i: (0, i, 0)),
        out_shape=jax.ShapeDtypeStruct((2, N_NODES, HFEATS), jnp.float32),
    )(parts, deg, xs, Wl, bl, Wr)


def _split_w(W):
    return W.reshape(2, HFEATS, FEATS)


def _split_b(b):
    return b.reshape(2, 1, HFEATS)


def kernel(x, edge_index, W1l, b1l, W1r, W2l, b2l, W2r):
    xs = jnp.stack([x[:, :HFEATS], x[:, HFEATS:]])
    srcs_a = edge_index[0].reshape(NS, A_NCHUNK, CHUNK)
    dsts_a = edge_index[1].reshape(NS, A_NCHUNK, CHUNK)
    p1, deg = _make_agg_deg()(xs[0], xs[1], srcs_a, dsts_a)
    hs = _dense(p1, deg, xs, _split_w(W1l), _split_b(b1l), _split_w(W1r),
                relu=True)
    p2 = _make_agg()(hs[0], hs[1], srcs_a, dsts_a)
    os = _dense(p2, deg, hs, _split_w(W2l), _split_b(b2l), _split_w(W2r),
                relu=False)
    return jnp.concatenate([os[0], os[1]], axis=1)

# --- scband reference (transcript-rebuilt; emitter-appended) ---
"""Pipeline reference for scband-graph-sage-86397562126634 (READ-ONLY COPY).

The authoritative reference and input builder live on the scoring server;
editing this copy changes nothing except your own understanding.
"""

import jax, jax.numpy as jnp
import numpy as np

N_NODES = 10000
N_EDGES = 320000
IN_FEATS = 128
HIDDEN = 128
OUT_FEATS = 128


def _glorot(key, shape):
    fan_in, fan_out = shape[1], shape[0]
    lim = (6.0 / (fan_in + fan_out)) ** 0.5
    return jax.random.uniform(key, shape, minval=-lim, maxval=lim, dtype=jnp.float32)


def setup_inputs(seed: int = 0) -> dict:
    key = jax.random.key(seed)
    ks = jax.random.split(key, 8)
    x = jax.random.normal(ks[0], (N_NODES, IN_FEATS), dtype=jnp.float32)
    edge_index = jax.random.randint(ks[1], (2, N_EDGES), 0, N_NODES, dtype=jnp.int64 if jax.config.jax_enable_x64 else jnp.int32).astype(jnp.int32)
    # SAGEConv layer 1: lin_l (applied to aggregated neighbors, with bias), lin_r (applied to root, no bias)
    W1l = _glorot(ks[2], (HIDDEN, IN_FEATS))
    b1l = jnp.zeros((HIDDEN,), dtype=jnp.float32)
    W1r = _glorot(ks[3], (HIDDEN, IN_FEATS))
    # SAGEConv layer 2
    W2l = _glorot(ks[4], (OUT_FEATS, HIDDEN))
    b2l = jnp.zeros((OUT_FEATS,), dtype=jnp.float32)
    W2r = _glorot(ks[5], (OUT_FEATS, HIDDEN))
    return {"x": x, "edge_index": edge_index, "W1l": W1l, "b1l": b1l, "W1r": W1r, "W2l": W2l, "b2l": b2l, "W2r": W2r}


def _sage_conv(x, edge_index, Wl, bl, Wr, num_nodes):
    src = edge_index[0]
    dst = edge_index[1]
    msgs = jnp.take(x, src, axis=0)                      # gather source features
    agg = jax.ops.segment_sum(msgs, dst, num_segments=num_nodes)   # scatter-add by dst
    deg = jax.ops.segment_sum(jnp.ones((edge_index.shape[1],), dtype=x.dtype), dst, num_segments=num_nodes)
    mean = agg / jnp.clip(deg, 1.0, None)[:, None]       # mean aggregation
    return mean @ Wl.T + bl + x @ Wr.T


def reference(x, edge_index, W1l, b1l, W1r, W2l, b2l, W2r):
    h = _sage_conv(x, edge_index, W1l, b1l, W1r, N_NODES)
    h = jax.nn.relu(h)
    out = _sage_conv(h, edge_index, W2l, b2l, W2r, N_NODES)
    return out

if __name__ == "__main__":
    import jax
    _d = setup_inputs()
    print(jax.jit(kernel)(*tuple(_d.values())))

</pallas_src>

<mosaic_0001>
#map = affine_map<(d0, d1) -> (0, 0)>
#map1 = affine_map<(d0, d1) -> (0, 0, 0)>
module attributes {stable_mosaic.version = 14 : i64} {
  func.func @_agg_deg_kernel_body(%arg0: i32, %arg1: i32, %arg2: memref<10000x64xf32, #tpu.memory_space<hbm>>, %arg3: memref<10000x64xf32, #tpu.memory_space<hbm>>, %arg4: memref<16x160x125xi32, #tpu.memory_space<hbm>>, %arg5: memref<16x160x125xi32, #tpu.memory_space<hbm>>, %arg6: memref<2x10240x64xf32, #tpu.memory_space<hbm>>, %arg7: memref<2x10240x16xf32, #tpu.memory_space<hbm>>, %arg8: memref<160x125xi32, #tpu.memory_space<vmem>>, %arg9: memref<160x125xi32, #tpu.memory_space<vmem>>, %arg10: memref<125x64xf32, #tpu.memory_space<vmem>>, %arg11: memref<125x64xf32, #tpu.memory_space<vmem>>, %arg12: memref<125x16xf32, #tpu.memory_space<vmem>>, %arg13: memref<128x64xf32, #tpu.memory_space<vmem>>, %arg14: memref<128x16xf32, #tpu.memory_space<vmem>>, %arg15: memref<10240x64xf32, #tpu.memory_space<vmem_shared>>, %arg16: memref<10240x16xf32, #tpu.memory_space<vmem_shared>>, %arg17: memref<!tpu.dma_semaphore, #tpu.memory_space<semaphore_mem>>, %arg18: memref<!tpu.dma_semaphore, #tpu.memory_space<semaphore_mem>>) attributes {dimension_semantics = [#tpu.dimension_semantics<core_parallel>, #tpu.dimension_semantics<subcore_parallel>], iteration_bounds = array<i64: 2, 16>, scalar_prefetch = 0 : i64, scratch_operands = 11 : i64, tpu.core_type = #tpu.core_type<sc_vector_subcore>, window_params = [{transform_indices = #map}, {transform_indices = #map}, {transform_indices = #map1}, {transform_indices = #map1}, {transform_indices = #map1}, {transform_indices = #map1}]} {
    %mul3A = arith.constant 640 : i32
    %mul3A_0 = arith.muli %arg1, %mul3A : i32
    %dma_start3A = arith.constant 0 : i32
    %dma_start3A_1 = arith.constant 0 : i32
    %dma_start3A_2 = tpu.memref_slice %arg4[%arg1, %dma_start3A, %dma_start3A_1] : memref<16x160x125xi32, #tpu.memory_space<hbm>> -> memref<1x160x125xi32, #tpu.memory_space<hbm>>
    %dma_start3A_3 = tpu.memref_squeeze %dma_start3A_2 : memref<1x160x125xi32, #tpu.memory_space<hbm>> -> memref<160x125xi32, #tpu.memory_space<hbm>>
    %dma_start3A_4 = arith.constant 0 : i32
    %dma_start3A_5 = arith.constant 0 : i32
    %dma_start3A_6 = tpu.memref_slice %arg4[%arg1, %dma_start3A_4, %dma_start3A_5] : memref<16x160x125xi32, #tpu.memory_space<hbm>> -> memref<1x160x125xi32, #tpu.memory_space<hbm>>
    %dma_start3A_7 = tpu.memref_squeeze %dma_start3A_6 : memref<1x160x125xi32, #tpu.memory_space<hbm>> -> memref<160x125xi32, #tpu.memory_space<hbm>>
    tpu.enqueue_dma source(%dma_start3A_7 : memref<160x125xi32, #tpu.memory_space<hbm>>) target(%arg8 : memref<160x125xi32, #tpu.memory_space<vmem>>) target_semaphore(%arg17 : memref<!tpu.dma_semaphore, #tpu.memory_space<semaphore_mem>>)
    %dma_start3A_8 = arith.constant 0 : i32
    %dma_start3A_9 = arith.constant 0 : i32
    %dma_start3A_10 = tpu.memref_slice %arg5[%arg1, %dma_start3A_8, %dma_start3A_9] : memref<16x160x125xi32, #tpu.memory_space<hbm>> -> memref<1x160x125xi32, #tpu.memory_space<hbm>>
    %dma_start3A_11 = tpu.memref_squeeze %dma_start3A_10 : memref<1x160x125xi32, #tpu.memory_space<hbm>> -> memref<160x125xi32, #tpu.memory_space<hbm>>
    %dma_start3A_12 = arith.constant 0 : i32
    %dma_start3A_13 = arith.constant 0 : i32
    %dma_start3A_14 = tpu.memref_slice %arg5[%arg1, %dma_start3A_12, %dma_start3A_13] : memref<16x160x125xi32, #tpu.memory_space<hbm>> -> memref<1x160x125xi32, #tpu.memory_space<hbm>>
    %dma_start3A_15 = tpu.memref_squeeze %dma_start3A_14 : memref<1x160x125xi32, #tpu.memory_space<hbm>> -> memref<160x125xi32, #tpu.memory_space<hbm>>
    tpu.enqueue_dma source(%dma_start3A_15 : memref<160x125xi32, #tpu.memory_space<hbm>>) target(%arg9 : memref<160x125xi32, #tpu.memory_space<vmem>>) target_semaphore(%arg18 : memref<!tpu.dma_semaphore, #tpu.memory_space<semaphore_mem>>)
    %broadcast_in_dim3A = arith.constant 0.000000e+00 : f32
    %broadcast_in_dim3A_16 = vector.broadcast %broadcast_in_dim3A : f32 to vector<16xf32>
    %scan3A = arith.constant 0 : i32
    %scan3A_17 = arith.constant 0 : i32
    %scan3A_18 = arith.constant 128 : i32
    %scan3A_19 = arith.addi %scan3A_17, %scan3A_18 : i32
    %scan3A_20 = arith.constant 1 : i32
    scf.for %scan3A_84 = %scan3A_17 to %scan3A_19 step %scan3A_20  : i32 {
      %swap3A = arith.index_cast %scan3A_84 : i32 to index
      %swap3A_85 = arith.constant 0 : index
      %swap3A_86 = tpu.vector_load %arg13[%swap3A, %swap3A_85] {strides = array<i32>} : memref<128x64xf32, #tpu.memory_space<vmem>>, vector<1x16xf32>,
      %swap3A_87 = vector.shape_cast %swap3A_86 : vector<1x16xf32> to vector<16xf32>
      %swap3A_88 = vector.shape_cast %broadcast_in_dim3A_16 : vector<16xf32> to vector<1x16xf32>
      tpu.vector_store %arg13[%swap3A, %swap3A_85], %swap3A_88 {strides = array<i32>} : memref<128x64xf32, #tpu.memory_space<vmem>>, vector<1x16xf32>,
      %swap3A_89 = arith.index_cast %scan3A_84 : i32 to index
      %swap3A_90 = arith.constant 16 : index
      %swap3A_91 = tpu.vector_load %arg13[%swap3A_89, %swap3A_90] {strides = array<i32>} : memref<128x64xf32, #tpu.memory_space<vmem>>, vector<1x16xf32>,
      %swap3A_92 = vector.shape_cast %swap3A_91 : vector<1x16xf32> to vector<16xf32>
      %swap3A_93 = vector.shape_cast %broadcast_in_dim3A_16 : vector<16xf32> to vector<1x16xf32>
      tpu.vector_store %arg13[%swap3A_89, %swap3A_90], %swap3A_93 {strides = array<i32>} : memref<128x64xf32, #tpu.memory_space<vmem>>, vector<1x16xf32>,
      %swap3A_94 = arith.index_cast %scan3A_84 : i32 to index
      %swap3A_95 = arith.constant 32 : index
      %swap3A_96 = tpu.vector_load %arg13[%swap3A_94, %swap3A_95] {strides = array<i32>} : memref<128x64xf32, #tpu.memory_space<vmem>>, vector<1x16xf32>,
      %swap3A_97 = vector.shape_cast %swap3A_96 : vector<1x16xf32> to vector<16xf32>
      %swap3A_98 = vector.shape_cast %broadcast_in_dim3A_16 : vector<16xf32> to vector<1x16xf32>
      tpu.vector_store %arg13[%swap3A_94, %swap3A_95], %swap3A_98 {strides = array<i32>} : memref<128x64xf32, #tpu.memory_space<vmem>>, vector<1x16xf32>,
      %swap3A_99 = arith.index_cast %scan3A_84 : i32 to index
      %swap3A_100 = arith.constant 48 : index
      %swap3A_101 = tpu.vector_load %arg13[%swap3A_99, %swap3A_100] {strides = array<i32>} : memref<128x64xf32, #tpu.memory_space<vmem>>, vector<1x16xf32>,
      %swap3A_102 = vector.shape_cast %swap3A_101 : vector<1x16xf32> to vector<16xf32>
      %swap3A_103 = vector.shape_cast %broadcast_in_dim3A_16 : vector<16xf32> to vector<1x16xf32>
      tpu.vector_store %arg13[%swap3A_99, %swap3A_100], %swap3A_103 {strides = array<i32>} : memref<128x64xf32, #tpu.memory_space<vmem>>, vector<1x16xf32>,
    }
    %scan3A_21 = arith.constant 128 : i32
    %add3A = arith.constant 0 : i32
    %add3A_22 = arith.addi %mul3A_0, %add3A : i32
    "tpu.region"() ({
      %run_scoped3A = tpu.sem_alloc : memref<!tpu.dma_semaphore, #tpu.memory_space<semaphore_mem>>
      %dma_start3A_84 = arith.constant 0 : i32
      %dma_start3A_85 = tpu.memref_slice %arg15[%add3A_22, %dma_start3A_84] : memref<10240x64xf32, #tpu.memory_space<vmem_shared>> -> memref<128x64xf32, #tpu.memory_space<vmem_shared>>
      %dma_start3A_86 = arith.constant 0 : i32
      %dma_start3A_87 = tpu.memref_slice %arg15[%add3A_22, %dma_start3A_86] : memref<10240x64xf32, #tpu.memory_space<vmem_shared>> -> memref<128x64xf32, #tpu.memory_space<vmem_shared>>
      tpu.enqueue_dma source(%arg13 : memref<128x64xf32, #tpu.memory_space<vmem>>) target(%dma_start3A_87 : memref<128x64xf32, #tpu.memory_space<vmem_shared>>) target_semaphore(%run_scoped3A : memref<!tpu.dma_semaphore, #tpu.memory_space<semaphore_mem>>)
      %dma_wait3A_88 = arith.constant 0 : i32
      %dma_wait3A_89 = tpu.memref_slice %arg15[%add3A_22, %dma_wait3A_88] : memref<10240x64xf32, #tpu.memory_space<vmem_shared>> -> memref<128x64xf32, #tpu.memory_space<vmem_shared>>
      %dma_wait3A_90 = arith.constant 0 : i32
      %dma_wait3A_91 = tpu.memref_slice %arg15[%add3A_22, %dma_wait3A_90] : memref<10240x64xf32, #tpu.memory_space<vmem_shared>> -> memref<128x64xf32, #tpu.memory_space<vmem_shared>>
      tpu.wait_dma2 semaphore(%run_scoped3A : memref<!tpu.dma_semaphore, #tpu.memory_space<semaphore_mem>>) src(%arg13 : memref<128x64xf32, #tpu.memory_space<vmem>>) dst(%dma_wait3A_91 : memref<128x64xf32, #tpu.memory_space<vmem_shared>>)
      tpu.yield
    }) : () -> ()
    %add3A_23 = arith.constant 128 : i32
    %add3A_24 = arith.addi %mul3A_0, %add3A_23 : i32
    "tpu.region"() ({
      %run_scoped3A = tpu.sem_alloc : memref<!tpu.dma_semaphore, #tpu.memory_space<semaphore_mem>>
      %dma_start3A_84 = arith.constant 0 : i32
      %dma_start3A_85 = tpu.memref_slice %arg15[%add3A_24, %dma_start3A_84] : memref<10240x64xf32, #tpu.memory_space<vmem_shared>> -> memref<128x64xf32, #tpu.memory_space<vmem_shared>>
      %dma_start3A_86 = arith.constant 0 : i32
      %dma_start3A_87 = tpu.memref_slice %arg15[%add3A_24, %dma_start3A_86] : memref<10240x64xf32, #tpu.memory_space<vmem_shared>> -> memref<128x64xf32, #tpu.memory_space<vmem_shared>>
      tpu.enqueue_dma source(%arg13 : memref<128x64xf32, #tpu.memory_space<vmem>>) target(%dma_start3A_87 : memref<128x64xf32, #tpu.memory_space<vmem_shared>>) target_semaphore(%run_scoped3A : memref<!tpu.dma_semaphore, #tpu.memory_space<semaphore_mem>>)
      %dma_wait3A_88 = arith.constant 0 : i32
      %dma_wait3A_89 = tpu.memref_slice %arg15[%add3A_24, %dma_wait3A_88] : memref<10240x64xf32, #tpu.memory_space<vmem_shared>> -> memref<128x64xf32, #tpu.memory_space<vmem_shared>>
      %dma_wait3A_90 = arith.constant 0 : i32
      %dma_wait3A_91 = tpu.memref_slice %arg15[%add3A_24, %dma_wait3A_90] : memref<10240x64xf32, #tpu.memory_space<vmem_shared>> -> memref<128x64xf32, #tpu.memory_space<vmem_shared>>
      tpu.wait_dma2 semaphore(%run_scoped3A : memref<!tpu.dma_semaphore, #tpu.memory_space<semaphore_mem>>) src(%arg13 : memref<128x64xf32, #tpu.memory_space<vmem>>) dst(%dma_wait3A_91 : memref<128x64xf32, #tpu.memory_space<vmem_shared>>)
      tpu.yield
    }) : () -> ()
    %add3A_25 = arith.constant 256 : i32
    %add3A_26 = arith.addi %mul3A_0, %add3A_25 : i32
    "tpu.region"() ({
      %run_scoped3A = tpu.sem_alloc : memref<!tpu.dma_semaphore, #tpu.memory_space<semaphore_mem>>
      %dma_start3A_84 = arith.constant 0 : i32
      %dma_start3A_85 = tpu.memref_slice %arg15[%add3A_26, %dma_start3A_84] : memref<10240x64xf32, #tpu.memory_space<vmem_shared>> -> memref<128x64xf32, #tpu.memory_space<vmem_shared>>
      %dma_start3A_86 = arith.constant 0 : i32
      %dma_start3A_87 = tpu.memref_slice %arg15[%add3A_26, %dma_start3A_86] : memref<10240x64xf32, #tpu.memory_space<vmem_shared>> -> memref<128x64xf32, #tpu.memory_space<vmem_shared>>
      tpu.enqueue_dma source(%arg13 : memref<128x64xf32, #tpu.memory_space<vmem>>) target(%dma_start3A_87 : memref<128x64xf32, #tpu.memory_space<vmem_shared>>) target_semaphore(%run_scoped3A : memref<!tpu.dma_semaphore, #tpu.memory_space<semaphore_mem>>)
      %dma_wait3A_88 = arith.constant 0 : i32
      %dma_wait3A_89 = tpu.memref_slice %arg15[%add3A_26, %dma_wait3A_88] : memref<10240x64xf32, #tpu.memory_space<vmem_shared>> -> memref<128x64xf32, #tpu.memory_space<vmem_shared>>
      %dma_wait3A_90 = arith.constant 0 : i32
      %dma_wait3A_91 = tpu.memref_slice %arg15[%add3A_26, %dma_wait3A_90] : memref<10240x64xf32, #tpu.memory_space<vmem_shared>> -> memref<128x64xf32, #tpu.memory_space<vmem_shared>>
      tpu.wait_dma2 semaphore(%run_scoped3A : memref<!tpu.dma_semaphore, #tpu.memory_space<semaphore_mem>>) src(%arg13 : memref<128x64xf32, #tpu.memory_space<vmem>>) dst(%dma_wait3A_91 : memref<128x64xf32, #tpu.memory_space<vmem_shared>>)
      tpu.yield
    }) : () -> ()
    %add3A_27 = arith.constant 384 : i32
    %add3A_28 = arith.addi %mul3A_0, %add3A_27 : i32
    "tpu.region"() ({
      %run_scoped3A = tpu.sem_alloc : memref<!tpu.dma_semaphore, #tpu.memory_space<semaphore_mem>>
      %dma_start3A_84 = arith.constant 0 : i32
      %dma_start3A_85 = tpu.memref_slice %arg15[%add3A_28, %dma_start3A_84] : memref<10240x64xf32, #tpu.memory_space<vmem_shared>> -> memref<128x64xf32, #tpu.memory_space<vmem_shared>>
      %dma_start3A_86 = arith.constant 0 : i32
      %dma_start3A_87 = tpu.memref_slice %arg15[%add3A_28, %dma_start3A_86] : memref<10240x64xf32, #tpu.memory_space<vmem_shared>> -> memref<128x64xf32, #tpu.memory_space<vmem_shared>>
      tpu.enqueue_dma source(%arg13 : memref<128x64xf32, #tpu.memory_space<vmem>>) target(%dma_start3A_87 : memref<128x64xf32, #tpu.memory_space<vmem_shared>>) target_semaphore(%run_scoped3A : memref<!tpu.dma_semaphore, #tpu.memory_space<semaphore_mem>>)
      %dma_wait3A_88 = arith.constant 0 : i32
      %dma_wait3A_89 = tpu.memref_slice %arg15[%add3A_28, %dma_wait3A_88] : memref<10240x64xf32, #tpu.memory_space<vmem_shared>> -> memref<128x64xf32, #tpu.memory_space<vmem_shared>>
      %dma_wait3A_90 = arith.constant 0 : i32
      %dma_wait3A_91 = tpu.memref_slice %arg15[%add3A_28, %dma_wait3A_90] : memref<10240x64xf32, #tpu.memory_space<vmem_shared>> -> memref<128x64xf32, #tpu.memory_space<vmem_shared>>
      tpu.wait_dma2 semaphore(%run_scoped3A : memref<!tpu.dma_semaphore, #tpu.memory_space<semaphore_mem>>) src(%arg13 : memref<128x64xf32, #tpu.memory_space<vmem>>) dst(%dma_wait3A_91 : memref<128x64xf32, #tpu.memory_space<vmem_shared>>)
      tpu.yield
    }) : () -> ()
    %add3A_29 = arith.constant 512 : i32
    %add3A_30 = arith.addi %mul3A_0, %add3A_29 : i32
    "tpu.region"() ({
      %run_scoped3A = tpu.sem_alloc : memref<!tpu.dma_semaphore, #tpu.memory_space<semaphore_mem>>
      %dma_start3A_84 = arith.constant 0 : i32
      %dma_start3A_85 = tpu.memref_slice %arg15[%add3A_30, %dma_start3A_84] : memref<10240x64xf32, #tpu.memory_space<vmem_shared>> -> memref<128x64xf32, #tpu.memory_space<vmem_shared>>
      %dma_start3A_86 = arith.constant 0 : i32
      %dma_start3A_87 = tpu.memref_slice %arg15[%add3A_30, %dma_start3A_86] : memref<10240x64xf32, #tpu.memory_space<vmem_shared>> -> memref<128x64xf32, #tpu.memory_space<vmem_shared>>
      tpu.enqueue_dma source(%arg13 : memref<128x64xf32, #tpu.memory_space<vmem>>) target(%dma_start3A_87 : memref<128x64xf32, #tpu.memory_space<vmem_shared>>) target_semaphore(%run_scoped3A : memref<!tpu.dma_semaphore, #tpu.memory_space<semaphore_mem>>)
      %dma_wait3A_88 = arith.constant 0 : i32
      %dma_wait3A_89 = tpu.memref_slice %arg15[%add3A_30, %dma_wait3A_88] : memref<10240x64xf32, #tpu.memory_space<vmem_shared>> -> memref<128x64xf32, #tpu.memory_space<vmem_shared>>
      %dma_wait3A_90 = arith.constant 0 : i32
      %dma_wait3A_91 = tpu.memref_slice %arg15[%add3A_30, %dma_wait3A_90] : memref<10240x64xf32, #tpu.memory_space<vmem_shared>> -> memref<128x64xf32, #tpu.memory_space<vmem_shared>>
      tpu.wait_dma2 semaphore(%run_scoped3A : memref<!tpu.dma_semaphore, #tpu.memory_space<semaphore_mem>>) src(%arg13 : memref<128x64xf32, #tpu.memory_space<vmem>>) dst(%dma_wait3A_91 : memref<128x64xf32, #tpu.memory_space<vmem_shared>>)
      tpu.yield
    }) : () -> ()
    %scan3A_31 = arith.constant 0 : i32
    %scan3A_32 = arith.constant 0 : i32
    %scan3A_33 = arith.constant 128 : i32
    %scan3A_34 = arith.addi %scan3A_32, %scan3A_33 : i32
    %scan3A_35 = arith.constant 1 : i32
    scf.for %scan3A_84 = %scan3A_32 to %scan3A_34 step %scan3A_35  : i32 {
      %swap3A = arith.index_cast %scan3A_84 : i32 to index
      %swap3A_85 = arith.constant 0 : index
      %swap3A_86 = tpu.vector_load %arg14[%swap3A, %swap3A_85] {strides = array<i32>} : memref<128x16xf32, #tpu.memory_space<vmem>>, vector<1x16xf32>,
      %swap3A_87 = vector.shape_cast %swap3A_86 : vector<1x16xf32> to vector<16xf32>
      %swap3A_88 = vector.shape_cast %broadcast_in_dim3A_16 : vector<16xf32> to vector<1x16xf32>
      tpu.vector_store %arg14[%swap3A, %swap3A_85], %swap3A_88 {strides = array<i32>} : memref<128x16xf32, #tpu.memory_space<vmem>>, vector<1x16xf32>,
    }
    %scan3A_36 = arith.constant 128 : i32
    %add3A_37 = arith.constant 0 : i32
    %add3A_38 = arith.addi %mul3A_0, %add3A_37 : i32
    "tpu.region"() ({
      %run_scoped3A = tpu.sem_alloc : memref<!tpu.dma_semaphore, #tpu.memory_space<semaphore_mem>>
      %dma_start3A_84 = arith.constant 0 : i32
      %dma_start3A_85 = tpu.memref_slice %arg16[%add3A_38, %dma_start3A_84] : memref<10240x16xf32, #tpu.memory_space<vmem_shared>> -> memref<128x16xf32, #tpu.memory_space<vmem_shared>>
      %dma_start3A_86 = arith.constant 0 : i32
      %dma_start3A_87 = tpu.memref_slice %arg16[%add3A_38, %dma_start3A_86] : memref<10240x16xf32, #tpu.memory_space<vmem_shared>> -> memref<128x16xf32, #tpu.memory_space<vmem_shared>>
      tpu.enqueue_dma source(%arg14 : memref<128x16xf32, #tpu.memory_space<vmem>>) target(%dma_start3A_87 : memref<128x16xf32, #tpu.memory_space<vmem_shared>>) target_semaphore(%run_scoped3A : memref<!tpu.dma_semaphore, #tpu.memory_space<semaphore_mem>>)
      %dma_wait3A_88 = arith.constant 0 : i32
      %dma_wait3A_89 = tpu.memref_slice %arg16[%add3A_38, %dma_wait3A_88] : memref<10240x16xf32, #tpu.memory_space<vmem_shared>> -> memref<128x16xf32, #tpu.memory_space<vmem_shared>>
      %dma_wait3A_90 = arith.constant 0 : i32
      %dma_wait3A_91 = tpu.memref_slice %arg16[%add3A_38, %dma_wait3A_90] : memref<10240x16xf32, #tpu.memory_space<vmem_shared>> -> memref<128x16xf32, #tpu.memory_space<vmem_shared>>
      tpu.wait_dma2 semaphore(%run_scoped3A : memref<!tpu.dma_semaphore, #tpu.memory_space<semaphore_mem>>) src(%arg14 : memref<128x16xf32, #tpu.memory_space<vmem>>) dst(%dma_wait3A_91 : memref<128x16xf32, #tpu.memory_space<vmem_shared>>)
      tpu.yield
    }) : () -> ()
    %add3A_39 = arith.constant 128 : i32
    %add3A_40 = arith.addi %mul3A_0, %add3A_39 : i32
    "tpu.region"() ({
      %run_scoped3A = tpu.sem_alloc : memref<!tpu.dma_semaphore, #tpu.memory_space<semaphore_mem>>
      %dma_start3A_84 = arith.constant 0 : i32
      %dma_start3A_85 = tpu.memref_slice %arg16[%add3A_40, %dma_start3A_84] : memref<10240x16xf32, #tpu.memory_space<vmem_shared>> -> memref<128x16xf32, #tpu.memory_space<vmem_shared>>
      %dma_start3A_86 = arith.constant 0 : i32
      %dma_start3A_87 = tpu.memref_slice %arg16[%add3A_40, %dma_start3A_86] : memref<10240x16xf32, #tpu.memory_space<vmem_shared>> -> memref<128x16xf32, #tpu.memory_space<vmem_shared>>
      tpu.enqueue_dma source(%arg14 : memref<128x16xf32, #tpu.memory_space<vmem>>) target(%dma_start3A_87 : memref<128x16xf32, #tpu.memory_space<vmem_shared>>) target_semaphore(%run_scoped3A : memref<!tpu.dma_semaphore, #tpu.memory_space<semaphore_mem>>)
      %dma_wait3A_88 = arith.constant 0 : i32
      %dma_wait3A_89 = tpu.memref_slice %arg16[%add3A_40, %dma_wait3A_88] : memref<10240x16xf32, #tpu.memory_space<vmem_shared>> -> memref<128x16xf32, #tpu.memory_space<vmem_shared>>
      %dma_wait3A_90 = arith.constant 0 : i32
      %dma_wait3A_91 = tpu.memref_slice %arg16[%add3A_40, %dma_wait3A_90] : memref<10240x16xf32, #tpu.memory_space<vmem_shared>> -> memref<128x16xf32, #tpu.memory_space<vmem_shared>>
      tpu.wait_dma2 semaphore(%run_scoped3A : memref<!tpu.dma_semaphore, #tpu.memory_space<semaphore_mem>>) src(%arg14 : memref<128x16xf32, #tpu.memory_space<vmem>>) dst(%dma_wait3A_91 : memref<128x16xf32, #tpu.memory_space<vmem_shared>>)
      tpu.yield
    }) : () -> ()
    %add3A_41 = arith.constant 256 : i32
    %add3A_42 = arith.addi %mul3A_0, %add3A_41 : i32
    "tpu.region"() ({
      %run_scoped3A = tpu.sem_alloc : memref<!tpu.dma_semaphore, #tpu.memory_space<semaphore_mem>>
      %dma_start3A_84 = arith.constant 0 : i32
      %dma_start3A_85 = tpu.memref_slice %arg16[%add3A_42, %dma_start3A_84] : memref<10240x16xf32, #tpu.memory_space<vmem_shared>> -> memref<128x16xf32, #tpu.memory_space<vmem_shared>>
      %dma_start3A_86 = arith.constant 0 : i32
      %dma_start3A_87 = tpu.memref_slice %arg16[%add3A_42, %dma_start3A_86] : memref<10240x16xf32, #tpu.memory_space<vmem_shared>> -> memref<128x16xf32, #tpu.memory_space<vmem_shared>>
      tpu.enqueue_dma source(%arg14 : memref<128x16xf32, #tpu.memory_space<vmem>>) target(%dma_start3A_87 : memref<128x16xf32, #tpu.memory_space<vmem_shared>>) target_semaphore(%run_scoped3A : memref<!tpu.dma_semaphore, #tpu.memory_space<semaphore_mem>>)
      %dma_wait3A_88 = arith.constant 0 : i32
      %dma_wait3A_89 = tpu.memref_slice %arg16[%add3A_42, %dma_wait3A_88] : memref<10240x16xf32, #tpu.memory_space<vmem_shared>> -> memref<128x16xf32, #tpu.memory_space<vmem_shared>>
      %dma_wait3A_90 = arith.constant 0 : i32
      %dma_wait3A_91 = tpu.memref_slice %arg16[%add3A_42, %dma_wait3A_90] : memref<10240x16xf32, #tpu.memory_space<vmem_shared>> -> memref<128x16xf32, #tpu.memory_space<vmem_shared>>
      tpu.wait_dma2 semaphore(%run_scoped3A : memref<!tpu.dma_semaphore, #tpu.memory_space<semaphore_mem>>) src(%arg14 : memref<128x16xf32, #tpu.memory_space<vmem>>) dst(%dma_wait3A_91 : memref<128x16xf32, #tpu.memory_space<vmem_shared>>)
      tpu.yield
    }) : () -> ()
    %add3A_43 = arith.constant 384 : i32
    %add3A_44 = arith.addi %mul3A_0, %add3A_43 : i32
    "tpu.region"() ({
      %run_scoped3A = tpu.sem_alloc : memref<!tpu.dma_semaphore, #tpu.memory_space<semaphore_mem>>
      %dma_start3A_84 = arith.constant 0 : i32
      %dma_start3A_85 = tpu.memref_slice %arg16[%add3A_44, %dma_start3A_84] : memref<10240x16xf32, #tpu.memory_space<vmem_shared>> -> memref<128x16xf32, #tpu.memory_space<vmem_shared>>
      %dma_start3A_86 = arith.constant 0 : i32
      %dma_start3A_87 = tpu.memref_slice %arg16[%add3A_44, %dma_start3A_86] : memref<10240x16xf32, #tpu.memory_space<vmem_shared>> -> memref<128x16xf32, #tpu.memory_space<vmem_shared>>
      tpu.enqueue_dma source(%arg14 : memref<128x16xf32, #tpu.memory_space<vmem>>) target(%dma_start3A_87 : memref<128x16xf32, #tpu.memory_space<vmem_shared>>) target_semaphore(%run_scoped3A : memref<!tpu.dma_semaphore, #tpu.memory_space<semaphore_mem>>)
      %dma_wait3A_88 = arith.constant 0 : i32
      %dma_wait3A_89 = tpu.memref_slice %arg16[%add3A_44, %dma_wait3A_88] : memref<10240x16xf32, #tpu.memory_space<vmem_shared>> -> memref<128x16xf32, #tpu.memory_space<vmem_shared>>
      %dma_wait3A_90 = arith.constant 0 : i32
      %dma_wait3A_91 = tpu.memref_slice %arg16[%add3A_44, %dma_wait3A_90] : memref<10240x16xf32, #tpu.memory_space<vmem_shared>> -> memref<128x16xf32, #tpu.memory_space<vmem_shared>>
      tpu.wait_dma2 semaphore(%run_scoped3A : memref<!tpu.dma_semaphore, #tpu.memory_space<semaphore_mem>>) src(%arg14 : memref<128x16xf32, #tpu.memory_space<vmem>>) dst(%dma_wait3A_91 : memref<128x16xf32, #tpu.memory_space<vmem_shared>>)
      tpu.yield
    }) : () -> ()
    %add3A_45 = arith.constant 512 : i32
    %add3A_46 = arith.addi %mul3A_0, %add3A_45 : i32
    "tpu.region"() ({
      %run_scoped3A = tpu.sem_alloc : memref<!tpu.dma_semaphore, #tpu.memory_space<semaphore_mem>>
      %dma_start3A_84 = arith.constant 0 : i32
      %dma_start3A_85 = tpu.memref_slice %arg16[%add3A_46, %dma_start3A_84] : memref<10240x16xf32, #tpu.memory_space<vmem_shared>> -> memref<128x16xf32, #tpu.memory_space<vmem_shared>>
      %dma_start3A_86 = arith.constant 0 : i32
      %dma_start3A_87 = tpu.memref_slice %arg16[%add3A_46, %dma_start3A_86] : memref<10240x16xf32, #tpu.memory_space<vmem_shared>> -> memref<128x16xf32, #tpu.memory_space<vmem_shared>>
      tpu.enqueue_dma source(%arg14 : memref<128x16xf32, #tpu.memory_space<vmem>>) target(%dma_start3A_87 : memref<128x16xf32, #tpu.memory_space<vmem_shared>>) target_semaphore(%run_scoped3A : memref<!tpu.dma_semaphore, #tpu.memory_space<semaphore_mem>>)
      %dma_wait3A_88 = arith.constant 0 : i32
      %dma_wait3A_89 = tpu.memref_slice %arg16[%add3A_46, %dma_wait3A_88] : memref<10240x16xf32, #tpu.memory_space<vmem_shared>> -> memref<128x16xf32, #tpu.memory_space<vmem_shared>>
      %dma_wait3A_90 = arith.constant 0 : i32
      %dma_wait3A_91 = tpu.memref_slice %arg16[%add3A_46, %dma_wait3A_90] : memref<10240x16xf32, #tpu.memory_space<vmem_shared>> -> memref<128x16xf32, #tpu.memory_space<vmem_shared>>
      tpu.wait_dma2 semaphore(%run_scoped3A : memref<!tpu.dma_semaphore, #tpu.memory_space<semaphore_mem>>) src(%arg14 : memref<128x16xf32, #tpu.memory_space<vmem>>) dst(%dma_wait3A_91 : memref<128x16xf32, #tpu.memory_space<vmem_shared>>)
      tpu.yield
    }) : () -> ()
    %broadcast_in_dim3A_47 = arith.constant 1.000000e+00 : f32
    %broadcast_in_dim3A_48 = vector.broadcast %broadcast_in_dim3A_47 : f32 to vector<16xf32>
    %scan3A_49 = arith.constant 0 : i32
    %scan3A_50 = arith.constant 0 : i32
    %scan3A_51 = arith.constant 125 : i32
    %scan3A_52 = arith.addi %scan3A_50, %scan3A_51 : i32
    %scan3A_53 = arith.constant 1 : i32
    scf.for %scan3A_84 = %scan3A_50 to %scan3A_52 step %scan3A_53  : i32 {
      %swap3A = arith.index_cast %scan3A_84 : i32 to index
      %swap3A_85 = arith.constant 0 : index
      %swap3A_86 = tpu.vector_load %arg12[%swap3A, %swap3A_85] {strides = array<i32>} : memref<125x16xf32, #tpu.memory_space<vmem>>, vector<1x16xf32>,
      %swap3A_87 = vector.shape_cast %swap3A_86 : vector<1x16xf32> to vector<16xf32>
      %swap3A_88 = vector.shape_cast %broadcast_in_dim3A_48 : vector<16xf32> to vector<1x16xf32>
      tpu.vector_store %arg12[%swap3A, %swap3A_85], %swap3A_88 {strides = array<i32>} : memref<125x16xf32, #tpu.memory_space<vmem>>, vector<1x16xf32>,
    }
    %scan3A_54 = arith.constant 125 : i32
    %dma_wait3A = arith.constant 0 : i32
    %dma_wait3A_55 = arith.constant 0 : i32
    %dma_wait3A_56 = tpu.memref_slice %arg4[%arg1, %dma_wait3A, %dma_wait3A_55] : memref<16x160x125xi32, #tpu.memory_space<hbm>> -> memref<1x160x125xi32, #tpu.memory_space<hbm>>
    %dma_wait3A_57 = tpu.memref_squeeze %dma_wait3A_56 : memref<1x160x125xi32, #tpu.memory_space<hbm>> -> memref<160x125xi32, #tpu.memory_space<hbm>>
    %dma_wait3A_58 = arith.constant 0 : i32
    %dma_wait3A_59 = arith.constant 0 : i32
    %dma_wait3A_60 = tpu.memref_slice %arg4[%arg1, %dma_wait3A_58, %dma_wait3A_59] : memref<16x160x125xi32, #tpu.memory_space<hbm>> -> memref<1x160x125xi32, #tpu.memory_space<hbm>>
    %dma_wait3A_61 = tpu.memref_squeeze %dma_wait3A_60 : memref<1x160x125xi32, #tpu.memory_space<hbm>> -> memref<160x125xi32, #tpu.memory_space<hbm>>
    tpu.wait_dma2 semaphore(%arg17 : memref<!tpu.dma_semaphore, #tpu.memory_space<semaphore_mem>>) src(%dma_wait3A_61 : memref<160x125xi32, #tpu.memory_space<hbm>>) dst(%arg8 : memref<160x125xi32, #tpu.memory_space<vmem>>)
    %dma_wait3A_62 = arith.constant 0 : i32
    %dma_wait3A_63 = arith.constant 0 : i32
    %dma_wait3A_64 = tpu.memref_slice %arg5[%arg1, %dma_wait3A_62, %dma_wait3A_63] : memref<16x160x125xi32, #tpu.memory_space<hbm>> -> memref<1x160x125xi32, #tpu.memory_space<hbm>>
    %dma_wait3A_65 = tpu.memref_squeeze %dma_wait3A_64 : memref<1x160x125xi32, #tpu.memory_space<hbm>> -> memref<160x125xi32, #tpu.memory_space<hbm>>
    %dma_wait3A_66 = arith.constant 0 : i32
    %dma_wait3A_67 = arith.constant 0 : i32
    %dma_wait3A_68 = tpu.memref_slice %arg5[%arg1, %dma_wait3A_66, %dma_wait3A_67] : memref<16x160x125xi32, #tpu.memory_space<hbm>> -> memref<1x160x125xi32, #tpu.memory_space<hbm>>
    %dma_wait3A_69 = tpu.memref_squeeze %dma_wait3A_68 : memref<1x160x125xi32, #tpu.memory_space<hbm>> -> memref<160x125xi32, #tpu.memory_space<hbm>>
    tpu.wait_dma2 semaphore(%arg18 : memref<!tpu.dma_semaphore, #tpu.memory_space<semaphore_mem>>) src(%dma_wait3A_69 : memref<160x125xi32, #tpu.memory_space<hbm>>) dst(%arg9 : memref<160x125xi32, #tpu.memory_space<vmem>>)
    %barrier3A = arith.constant 0 : index
    tpu.barrier barrier_id(%barrier3A)
    %eq3A = arith.constant 0 : i32
    %eq3A_70 = arith.cmpi eq, %arg0, %eq3A : i32
    %convert_element_type3A = arith.extui %eq3A_70 : i1 to i32
    %cond3A = arith.constant 0 : i32
    %cond3A_71 = arith.cmpi ne, %convert_element_type3A, %cond3A : i32
    scf.if %cond3A_71 {
      %dma_start3A_84 = arith.constant 0 : i32
      %dma_start3A_85 = arith.constant 0 : i32
      %dma_start3A_86 = tpu.memref_slice %arg8[%dma_start3A_84, %dma_start3A_85] : memref<160x125xi32, #tpu.memory_space<vmem>> -> memref<1x125xi32, #tpu.memory_space<vmem>>
      %dma_start3A_87 = tpu.memref_squeeze %dma_start3A_86 : memref<1x125xi32, #tpu.memory_space<vmem>> -> memref<125xi32, #tpu.memory_space<vmem>>
      %dma_start3A_88 = arith.constant 0 : i32
      %dma_start3A_89 = arith.constant 0 : i32
      %dma_start3A_90 = tpu.memref_slice %arg2[%dma_start3A_88, %dma_start3A_89] : memref<10000x64xf32, #tpu.memory_space<hbm>> -> memref<10000x64xf32, #tpu.memory_space<hbm>>
      tpu.enqueue_indirect_dma source(%dma_start3A_90 : memref<10000x64xf32, #tpu.memory_space<hbm>>) target(%arg10 : memref<125x64xf32, #tpu.memory_space<vmem>>) offsets(%dma_start3A_87 : memref<125xi32, #tpu.memory_space<vmem>>) semaphore(%arg17 : memref<!tpu.dma_semaphore, #tpu.memory_space<semaphore_mem>>)
    } else {
    }
    %eq3A_72 = arith.constant 1 : i32
    %eq3A_73 = arith.cmpi eq, %arg0, %eq3A_72 : i32
    %convert_element_type3A_74 = arith.extui %eq3A_73 : i1 to i32
    %cond3A_75 = arith.constant 0 : i32
    %cond3A_76 = arith.cmpi ne, %convert_element_type3A_74, %cond3A_75 : i32
    scf.if %cond3A_76 {
      %dma_start3A_84 = arith.constant 0 : i32
      %dma_start3A_85 = arith.constant 0 : i32
      %dma_start3A_86 = tpu.memref_slice %arg8[%dma_start3A_84, %dma_start3A_85] : memref<160x125xi32, #tpu.memory_space<vmem>> -> memref<1x125xi32, #tpu.memory_space<vmem>>
      %dma_start3A_87 = tpu.memref_squeeze %dma_start3A_86 : memref<1x125xi32, #tpu.memory_space<vmem>> -> memref<125xi32, #tpu.memory_space<vmem>>
      %dma_start3A_88 = arith.constant 0 : i32
      %dma_start3A_89 = arith.constant 0 : i32
      %dma_start3A_90 = tpu.memref_slice %arg3[%dma_start3A_88, %dma_start3A_89] : memref<10000x64xf32, #tpu.memory_space<hbm>> -> memref<10000x64xf32, #tpu.memory_space<hbm>>
      tpu.enqueue_indirect_dma source(%dma_start3A_90 : memref<10000x64xf32, #tpu.memory_space<hbm>>) target(%arg10 : memref<125x64xf32, #tpu.memory_space<vmem>>) offsets(%dma_start3A_87 : memref<125xi32, #tpu.memory_space<vmem>>) semaphore(%arg17 : memref<!tpu.dma_semaphore, #tpu.memory_space<semaphore_mem>>)
    } else {
    }
    %scan3A_77 = arith.constant 0 : i32
    %scan3A_78 = arith.constant 0 : i32
    %scan3A_79 = arith.constant 80 : i32
    %scan3A_80 = arith.addi %scan3A_78, %scan3A_79 : i32
    %scan3A_81 = arith.constant 1 : i32
    scf.for %scan3A_84 = %scan3A_78 to %scan3A_80 step %scan3A_81  : i32 {
      %mul3A_85 = arith.constant 2 : i32
      %mul3A_86 = arith.muli %mul3A_85, %scan3A_84 : i32
      %add3A_87 = arith.constant 1 : i32
      %add3A_88 = arith.addi %mul3A_86, %add3A_87 : i32
      %eq3A_89 = arith.constant 0 : i32
      %eq3A_90 = arith.cmpi eq, %arg0, %eq3A_89 : i32
      %convert_element_type3A_91 = arith.extui %eq3A_90 : i1 to i32
      %cond3A_92 = arith.constant 0 : i32
      %cond3A_93 = arith.cmpi ne, %convert_element_type3A_91, %cond3A_92 : i32
      scf.if %cond3A_93 {
        %dma_start3A_131 = arith.constant 0 : i32
        %dma_start3A_132 = tpu.memref_slice %arg8[%add3A_88, %dma_start3A_131] : memref<160x125xi32, #tpu.memory_space<vmem>> -> memref<1x125xi32, #tpu.memory_space<vmem>>
        %dma_start3A_133 = tpu.memref_squeeze %dma_start3A_132 : memref<1x125xi32, #tpu.memory_space<vmem>> -> memref<125xi32, #tpu.memory_space<vmem>>
        %dma_start3A_134 = arith.constant 0 : i32
        %dma_start3A_135 = arith.constant 0 : i32
        %dma_start3A_136 = tpu.memref_slice %arg2[%dma_start3A_134, %dma_start3A_135] : memref<10000x64xf32, #tpu.memory_space<hbm>> -> memref<10000x64xf32, #tpu.memory_space<hbm>>
        tpu.enqueue_indirect_dma source(%dma_start3A_136 : memref<10000x64xf32, #tpu.memory_space<hbm>>) target(%arg11 : memref<125x64xf32, #tpu.memory_space<vmem>>) offsets(%dma_start3A_133 : memref<125xi32, #tpu.memory_space<vmem>>) semaphore(%arg18 : memref<!tpu.dma_semaphore, #tpu.memory_space<semaphore_mem>>)
      } else {
      }
      %eq3A_94 = arith.constant 1 : i32
      %eq3A_95 = arith.cmpi eq, %arg0, %eq3A_94 : i32
      %convert_element_type3A_96 = arith.extui %eq3A_95 : i1 to i32
      %cond3A_97 = arith.constant 0 : i32
      %cond3A_98 = arith.cmpi ne, %convert_element_type3A_96, %cond3A_97 : i32
      scf.if %cond3A_98 {
        %dma_start3A_131 = arith.constant 0 : i32
        %dma_start3A_132 = tpu.memref_slice %arg8[%add3A_88, %dma_start3A_131] : memref<160x125xi32, #tpu.memory_space<vmem>> -> memref<1x125xi32, #tpu.memory_space<vmem>>
        %dma_start3A_133 = tpu.memref_squeeze %dma_start3A_132 : memref<1x125xi32, #tpu.memory_space<vmem>> -> memref<125xi32, #tpu.memory_space<vmem>>
        %dma_start3A_134 = arith.constant 0 : i32
        %dma_start3A_135 = arith.constant 0 : i32
        %dma_start3A_136 = tpu.memref_slice %arg3[%dma_start3A_134, %dma_start3A_135] : memref<10000x64xf32, #tpu.memory_space<hbm>> -> memref<10000x64xf32, #tpu.memory_space<hbm>>
        tpu.enqueue_indirect_dma source(%dma_start3A_136 : memref<10000x64xf32, #tpu.memory_space<hbm>>) target(%arg11 : memref<125x64xf32, #tpu.memory_space<vmem>>) offsets(%dma_start3A_133 : memref<125xi32, #tpu.memory_space<vmem>>) semaphore(%arg18 : memref<!tpu.dma_semaphore, #tpu.memory_space<semaphore_mem>>)
      } else {
      }
      %eq3A_99 = arith.constant 0 : i32
      %eq3A_100 = arith.cmpi eq, %arg0, %eq3A_99 : i32
      %convert_element_type3A_101 = arith.extui %eq3A_100 : i1 to i32
      %cond3A_102 = arith.constant 0 : i32
      %cond3A_103 = arith.cmpi ne, %convert_element_type3A_101, %cond3A_102 : i32
      scf.if %cond3A_103 {
        "tpu.region"() ({
          %run_scoped3A = tpu.sem_alloc : memref<!tpu.dma_semaphore, #tpu.memory_space<semaphore_mem>>
          %dma_start3A_131 = arith.constant 0 : i32
          %dma_start3A_132 = tpu.memref_slice %arg9[%mul3A_86, %dma_start3A_131] : memref<160x125xi32, #tpu.memory_space<vmem>> -> memref<1x125xi32, #tpu.memory_space<vmem>>
          %dma_start3A_133 = tpu.memref_squeeze %dma_start3A_132 : memref<1x125xi32, #tpu.memory_space<vmem>> -> memref<125xi32, #tpu.memory_space<vmem>>
          %dma_start3A_134 = arith.constant 0 : i32
          %dma_start3A_135 = arith.constant 0 : i32
          %dma_start3A_136 = tpu.memref_slice %arg16[%dma_start3A_134, %dma_start3A_135] : memref<10240x16xf32, #tpu.memory_space<vmem_shared>> -> memref<10240x16xf32, #tpu.memory_space<vmem_shared>>
          tpu.enqueue_indirect_dma source(%arg12 : memref<125x16xf32, #tpu.memory_space<vmem>>) target(%dma_start3A_136 : memref<10240x16xf32, #tpu.memory_space<vmem_shared>>) offsets(%dma_start3A_133 : memref<125xi32, #tpu.memory_space<vmem>>) semaphore(%run_scoped3A : memref<!tpu.dma_semaphore, #tpu.memory_space<semaphore_mem>>) {add = true}
          %dma_wait3A_137 = arith.constant 0 : i32
          %dma_wait3A_138 = tpu.memref_slice %arg9[%mul3A_86, %dma_wait3A_137] : memref<160x125xi32, #tpu.memory_space<vmem>> -> memref<1x125xi32, #tpu.memory_space<vmem>>
          %dma_wait3A_139 = tpu.memref_squeeze %dma_wait3A_138 : memref<1x125xi32, #tpu.memory_space<vmem>> -> memref<125xi32, #tpu.memory_space<vmem>>
          %dma_wait3A_140 = arith.constant 0 : i32
          %dma_wait3A_141 = arith.constant 0 : i32
          %dma_wait3A_142 = tpu.memref_slice %arg16[%dma_wait3A_140, %dma_wait3A_141] : memref<10240x16xf32, #tpu.memory_space<vmem_shared>> -> memref<10240x16xf32, #tpu.memory_space<vmem_shared>>
          tpu.wait_indirect_dma semaphore(%run_scoped3A : memref<!tpu.dma_semaphore, #tpu.memory_space<semaphore_mem>>) src(%arg12 : memref<125x16xf32, #tpu.memory_space<vmem>>) dst(%dma_wait3A_142 : memref<10240x16xf32, #tpu.memory_space<vmem_shared>>)
          tpu.yield
        }) : () -> ()
      } else {
      }
      %eq3A_104 = arith.constant 1 : i32
      %eq3A_105 = arith.cmpi eq, %arg0, %eq3A_104 : i32
      %convert_element_type3A_106 = arith.extui %eq3A_105 : i1 to i32
      %cond3A_107 = arith.constant 0 : i32
      %cond3A_108 = arith.cmpi ne, %convert_element_type3A_106, %cond3A_107 : i32
      scf.if %cond3A_108 {
        %add3A_131 = arith.constant 1 : i32
        %add3A_132 = arith.addi %mul3A_86, %add3A_131 : i32
        "tpu.region"() ({
          %run_scoped3A = tpu.sem_alloc : memref<!tpu.dma_semaphore, #tpu.memory_space<semaphore_mem>>
          %dma_start3A_133 = arith.constant 0 : i32
          %dma_start3A_134 = tpu.memref_slice %arg9[%add3A_132, %dma_start3A_133] : memref<160x125xi32, #tpu.memory_space<vmem>> -> memref<1x125xi32, #tpu.memory_space<vmem>>
          %dma_start3A_135 = tpu.memref_squeeze %dma_start3A_134 : memref<1x125xi32, #tpu.memory_space<vmem>> -> memref<125xi32, #tpu.memory_space<vmem>>
          %dma_start3A_136 = arith.constant 0 : i32
          %dma_start3A_137 = arith.constant 0 : i32
          %dma_start3A_138 = tpu.memref_slice %arg16[%dma_start3A_136, %dma_start3A_137] : memref<10240x16xf32, #tpu.memory_space<vmem_shared>> -> memref<10240x16xf32, #tpu.memory_space<vmem_shared>>
          tpu.enqueue_indirect_dma source(%arg12 : memref<125x16xf32, #tpu.memory_space<vmem>>) target(%dma_start3A_138 : memref<10240x16xf32, #tpu.memory_space<vmem_shared>>) offsets(%dma_start3A_135 : memref<125xi32, #tpu.memory_space<vmem>>) semaphore(%run_scoped3A : memref<!tpu.dma_semaphore, #tpu.memory_space<semaphore_mem>>) {add = true}
          %dma_wait3A_139 = arith.constant 0 : i32
          %dma_wait3A_140 = tpu.memref_slice %arg9[%add3A_132, %dma_wait3A_139] : memref<160x125xi32, #tpu.memory_space<vmem>> -> memref<1x125xi32, #tpu.memory_space<vmem>>
          %dma_wait3A_141 = tpu.memref_squeeze %dma_wait3A_140 : memref<1x125xi32, #tpu.memory_space<vmem>> -> memref<125xi32, #tpu.memory_space<vmem>>
          %dma_wait3A_142 = arith.constant 0 : i32
          %dma_wait3A_143 = arith.constant 0 : i32
          %dma_wait3A_144 = tpu.memref_slice %arg16[%dma_wait3A_142, %dma_wait3A_143] : memref<10240x16xf32, #tpu.memory_space<vmem_shared>> -> memref<10240x16xf32, #tpu.memory_space<vmem_shared>>
          tpu.wait_indirect_dma semaphore(%run_scoped3A : memref<!tpu.dma_semaphore, #tpu.memory_space<semaphore_mem>>) src(%arg12 : memref<125x16xf32, #tpu.memory_space<vmem>>) dst(%dma_wait3A_144 : memref<10240x16xf32, #tpu.memory_space<vmem_shared>>)
          tpu.yield
        }) : () -> ()
      } else {
      }
      %dma_wait3A_109 = arith.constant 0 : i32
      %dma_wait3A_110 = arith.constant 0 : i32
      %dma_wait3A_111 = tpu.memref_slice %arg8[%dma_wait3A_109, %dma_wait3A_110] : memref<160x125xi32, #tpu.memory_space<vmem>> -> memref<1x125xi32, #tpu.memory_space<vmem>>
      %dma_wait3A_112 = tpu.memref_squeeze %dma_wait3A_111 : memref<1x125xi32, #tpu.memory_space<vmem>> -> memref<125xi32, #tpu.memory_space<vmem>>
      %dma_wait3A_113 = arith.constant 0 : i32
      %dma_wait3A_114 = arith.constant 0 : i32
      %dma_wait3A_115 = tpu.memref_slice %arg2[%dma_wait3A_113, %dma_wait3A_114] : memref<10000x64xf32, #tpu.memory_space<hbm>> -> memref<10000x64xf32, #tpu.memory_space<hbm>>
      tpu.wait_indirect_dma semaphore(%arg17 : memref<!tpu.dma_semaphore, #tpu.memory_space<semaphore_mem>>) src(%dma_wait3A_115 : memref<10000x64xf32, #tpu.memory_space<hbm>>) dst(%arg10 : memref<125x64xf32, #tpu.memory_space<vmem>>)
      "tpu.region"() ({
        %run_scoped3A = tpu.sem_alloc : memref<!tpu.dma_semaphore, #tpu.memory_space<semaphore_mem>>
        %dma_start3A_131 = arith.constant 0 : i32
        %dma_start3A_132 = tpu.memref_slice %arg9[%mul3A_86, %dma_start3A_131] : memref<160x125xi32, #tpu.memory_space<vmem>> -> memref<1x125xi32, #tpu.memory_space<vmem>>
        %dma_start3A_133 = tpu.memref_squeeze %dma_start3A_132 : memref<1x125xi32, #tpu.memory_space<vmem>> -> memref<125xi32, #tpu.memory_space<vmem>>
        %dma_start3A_134 = arith.constant 0 : i32
        %dma_start3A_135 = arith.constant 0 : i32
        %dma_start3A_136 = tpu.memref_slice %arg15[%dma_start3A_134, %dma_start3A_135] : memref<10240x64xf32, #tpu.memory_space<vmem_shared>> -> memref<10240x64xf32, #tpu.memory_space<vmem_shared>>
        tpu.enqueue_indirect_dma source(%arg10 : memref<125x64xf32, #tpu.memory_space<vmem>>) target(%dma_start3A_136 : memref<10240x64xf32, #tpu.memory_space<vmem_shared>>) offsets(%dma_start3A_133 : memref<125xi32, #tpu.memory_space<vmem>>) semaphore(%run_scoped3A : memref<!tpu.dma_semaphore, #tpu.memory_space<semaphore_mem>>) {add = true}
        %dma_wait3A_137 = arith.constant 0 : i32
        %dma_wait3A_138 = tpu.memref_slice %arg9[%mul3A_86, %dma_wait3A_137] : memref<160x125xi32, #tpu.memory_space<vmem>> -> memref<1x125xi32, #tpu.memory_space<vmem>>
        %dma_wait3A_139 = tpu.memref_squeeze %dma_wait3A_138 : memref<1x125xi32, #tpu.memory_space<vmem>> -> memref<125xi32, #tpu.memory_space<vmem>>
        %dma_wait3A_140 = arith.constant 0 : i32
        %dma_wait3A_141 = arith.constant 0 : i32
        %dma_wait3A_142 = tpu.memref_slice %arg15[%dma_wait3A_140, %dma_wait3A_141] : memref<10240x64xf32, #tpu.memory_space<vmem_shared>> -> memref<10240x64xf32, #tpu.memory_space<vmem_shared>>
        tpu.wait_indirect_dma semaphore(%run_scoped3A : memref<!tpu.dma_semaphore, #tpu.memory_space<semaphore_mem>>) src(%arg10 : memref<125x64xf32, #tpu.memory_space<vmem>>) dst(%dma_wait3A_142 : memref<10240x64xf32, #tpu.memory_space<vmem_shared>>)
        tpu.yield
      }) : () -> ()
      %add3A_116 = arith.constant 1 : i32
      %add3A_117 = arith.addi %scan3A_84, %add3A_116 : i32
      %lt3A = arith.constant 80 : i32
      %lt3A_118 = arith.cmpi slt, %add3A_117, %lt3A : i32
      %convert_element_type3A_119 = arith.extui %lt3A_118 : i1 to i32
      %cond3A_120 = arith.constant 0 : i32
      %cond3A_121 = arith.cmpi ne, %convert_element_type3A_119, %cond3A_120 : i32
      scf.if %cond3A_121 {
        %add3A_131 = arith.constant 2 : i32
        %add3A_132 = arith.addi %mul3A_86, %add3A_131 : i32
        %eq3A_133 = arith.constant 0 : i32
        %eq3A_134 = arith.cmpi eq, %arg0, %eq3A_133 : i32
        %convert_element_type3A_135 = arith.extui %eq3A_134 : i1 to i32
        %cond3A_136 = arith.constant 0 : i32
        %cond3A_137 = arith.cmpi ne, %convert_element_type3A_135, %cond3A_136 : i32
        scf.if %cond3A_137 {
          %dma_start3A_143 = arith.constant 0 : i32
          %dma_start3A_144 = tpu.memref_slice %arg8[%add3A_132, %dma_start3A_143] : memref<160x125xi32, #tpu.memory_space<vmem>> -> memref<1x125xi32, #tpu.memory_space<vmem>>
          %dma_start3A_145 = tpu.memref_squeeze %dma_start3A_144 : memref<1x125xi32, #tpu.memory_space<vmem>> -> memref<125xi32, #tpu.memory_space<vmem>>
          %dma_start3A_146 = arith.constant 0 : i32
          %dma_start3A_147 = arith.constant 0 : i32
          %dma_start3A_148 = tpu.memref_slice %arg2[%dma_start3A_146, %dma_start3A_147] : memref<10000x64xf32, #tpu.memory_space<hbm>> -> memref<10000x64xf32, #tpu.memory_space<hbm>>
          tpu.enqueue_indirect_dma source(%dma_start3A_148 : memref<10000x64xf32, #tpu.memory_space<hbm>>) target(%arg10 : memref<125x64xf32, #tpu.memory_space<vmem>>) offsets(%dma_start3A_145 : memref<125xi32, #tpu.memory_space<vmem>>) semaphore(%arg17 : memref<!tpu.dma_semaphore, #tpu.memory_space<semaphore_mem>>)
        } else {
        }
        %eq3A_138 = arith.constant 1 : i32
        %eq3A_139 = arith.cmpi eq, %arg0, %eq3A_138 : i32
        %convert_element_type3A_140 = arith.extui %eq3A_139 : i1 to i32
        %cond3A_141 = arith.constant 0 : i32
        %cond3A_142 = arith.cmpi ne, %convert_element_type3A_140, %cond3A_141 : i32
        scf.if %cond3A_142 {
          %dma_start3A_143 = arith.constant 0 : i32
          %dma_start3A_144 = tpu.memref_slice %arg8[%add3A_132, %dma_start3A_143] : memref<160x125xi32, #tpu.memory_space<vmem>> -> memref<1x125xi32, #tpu.memory_space<vmem>>
          %dma_start3A_145 = tpu.memref_squeeze %dma_start3A_144 : memref<1x125xi32, #tpu.memory_space<vmem>> -> memref<125xi32, #tpu.memory_space<vmem>>
          %dma_start3A_146 = arith.constant 0 : i32
          %dma_start3A_147 = arith.constant 0 : i32
          %dma_start3A_148 = tpu.memref_slice %arg3[%dma_start3A_146, %dma_start3A_147] : memref<10000x64xf32, #tpu.memory_space<hbm>> -> memref<10000x64xf32, #tpu.memory_space<hbm>>
          tpu.enqueue_indirect_dma source(%dma_start3A_148 : memref<10000x64xf32, #tpu.memory_space<hbm>>) target(%arg10 : memref<125x64xf32, #tpu.memory_space<vmem>>) offsets(%dma_start3A_145 : memref<125xi32, #tpu.memory_space<vmem>>) semaphore(%arg17 : memref<!tpu.dma_semaphore, #tpu.memory_space<semaphore_mem>>)
        } else {
        }
      } else {
      }
      %dma_wait3A_122 = arith.constant 0 : i32
      %dma_wait3A_123 = arith.constant 0 : i32
      %dma_wait3A_124 = tpu.memref_slice %arg8[%dma_wait3A_122, %dma_wait3A_123] : memref<160x125xi32, #tpu.memory_space<vmem>> -> memref<1x125xi32, #tpu.memory_space<vmem>>
      %dma_wait3A_125 = tpu.memref_squeeze %dma_wait3A_124 : memref<1x125xi32, #tpu.memory_space<vmem>> -> memref<125xi32, #tpu.memory_space<vmem>>
      %dma_wait3A_126 = arith.constant 0 : i32
      %dma_wait3A_127 = arith.constant 0 : i32
      %dma_wait3A_128 = tpu.memref_slice %arg2[%dma_wait3A_126, %dma_wait3A_127] : memref<10000x64xf32, #tpu.memory_space<hbm>> -> memref<10000x64xf32, #tpu.memory_space<hbm>>
      tpu.wait_indirect_dma semaphore(%arg18 : memref<!tpu.dma_semaphore, #tpu.memory_space<semaphore_mem>>) src(%dma_wait3A_128 : memref<10000x64xf32, #tpu.memory_space<hbm>>) dst(%arg11 : memref<125x64xf32, #tpu.memory_space<vmem>>)
      %add3A_129 = arith.constant 1 : i32
      %add3A_130 = arith.addi %mul3A_86, %add3A_129 : i32
      "tpu.region"() ({
        %run_scoped3A = tpu.sem_alloc : memref<!tpu.dma_semaphore, #tpu.memory_space<semaphore_mem>>
        %dma_start3A_131 = arith.constant 0 : i32
        %dma_start3A_132 = tpu.memref_slice %arg9[%add3A_130, %dma_start3A_131] : memref<160x125xi32, #tpu.memory_space<vmem>> -> memref<1x125xi32, #tpu.memory_space<vmem>>
        %dma_start3A_133 = tpu.memref_squeeze %dma_start3A_132 : memref<1x125xi32, #tpu.memory_space<vmem>> -> memref<125xi32, #tpu.memory_space<vmem>>
        %dma_start3A_134 = arith.constant 0 : i32
        %dma_start3A_135 = arith.constant 0 : i32
        %dma_start3A_136 = tpu.memref_slice %arg15[%dma_start3A_134, %dma_start3A_135] : memref<10240x64xf32, #tpu.memory_space<vmem_shared>> -> memref<10240x64xf32, #tpu.memory_space<vmem_shared>>
        tpu.enqueue_indirect_dma source(%arg11 : memref<125x64xf32, #tpu.memory_space<vmem>>) target(%dma_start3A_136 : memref<10240x64xf32, #tpu.memory_space<vmem_shared>>) offsets(%dma_start3A_133 : memref<125xi32, #tpu.memory_space<vmem>>) semaphore(%run_scoped3A : memref<!tpu.dma_semaphore, #tpu.memory_space<semaphore_mem>>) {add = true}
        %dma_wait3A_137 = arith.constant 0 : i32
        %dma_wait3A_138 = tpu.memref_slice %arg9[%add3A_130, %dma_wait3A_137] : memref<160x125xi32, #tpu.memory_space<vmem>> -> memref<1x125xi32, #tpu.memory_space<vmem>>
        %dma_wait3A_139 = tpu.memref_squeeze %dma_wait3A_138 : memref<1x125xi32, #tpu.memory_space<vmem>> -> memref<125xi32, #tpu.memory_space<vmem>>
        %dma_wait3A_140 = arith.constant 0 : i32
        %dma_wait3A_141 = arith.constant 0 : i32
        %dma_wait3A_142 = tpu.memref_slice %arg15[%dma_wait3A_140, %dma_wait3A_141] : memref<10240x64xf32, #tpu.memory_space<vmem_shared>> -> memref<10240x64xf32, #tpu.memory_space<vmem_shared>>
        tpu.wait_indirect_dma semaphore(%run_scoped3A : memref<!tpu.dma_semaphore, #tpu.memory_space<semaphore_mem>>) src(%arg11 : memref<125x64xf32, #tpu.memory_space<vmem>>) dst(%dma_wait3A_142 : memref<10240x64xf32, #tpu.memory_space<vmem_shared>>)
        tpu.yield
      }) : () -> ()
    }
    %scan3A_82 = arith.constant 80 : i32
    %barrier3A_83 = arith.constant 0 : index
    tpu.barrier barrier_id(%barrier3A_83)
    "tpu.region"() ({
      %run_scoped3A = tpu.sem_alloc : memref<!tpu.dma_semaphore, #tpu.memory_space<semaphore_mem>>
      %dma_start3A_84 = arith.constant 0 : i32
      %dma_start3A_85 = tpu.memref_slice %arg6[%arg0, %mul3A_0, %dma_start3A_84] : memref<2x10240x64xf32, #tpu.memory_space<hbm>> -> memref<1x640x64xf32, #tpu.memory_space<hbm>>
      %dma_start3A_86 = tpu.memref_squeeze %dma_start3A_85 : memref<1x640x64xf32, #tpu.memory_space<hbm>> -> memref<640x64xf32, #tpu.memory_space<hbm>>
      %dma_start3A_87 = arith.constant 0 : i32
      %dma_start3A_88 = tpu.memref_slice %arg15[%mul3A_0, %dma_start3A_87] : memref<10240x64xf32, #tpu.memory_space<vmem_shared>> -> memref<640x64xf32, #tpu.memory_space<vmem_shared>>
      tpu.enqueue_dma source(%dma_start3A_88 : memref<640x64xf32, #tpu.memory_space<vmem_shared>>) target(%dma_start3A_86 : memref<640x64xf32, #tpu.memory_space<hbm>>) target_semaphore(%run_scoped3A : memref<!tpu.dma_semaphore, #tpu.memory_space<semaphore_mem>>)
      %dma_wait3A_89 = arith.constant 0 : i32
      %dma_wait3A_90 = tpu.memref_slice %arg6[%arg0, %mul3A_0, %dma_wait3A_89] : memref<2x10240x64xf32, #tpu.memory_space<hbm>> -> memref<1x640x64xf32, #tpu.memory_space<hbm>>
      %dma_wait3A_91 = tpu.memref_squeeze %dma_wait3A_90 : memref<1x640x64xf32, #tpu.memory_space<hbm>> -> memref<640x64xf32, #tpu.memory_space<hbm>>
      %dma_wait3A_92 = arith.constant 0 : i32
      %dma_wait3A_93 = tpu.memref_slice %arg15[%mul3A_0, %dma_wait3A_92] : memref<10240x64xf32, #tpu.memory_space<vmem_shared>> -> memref<640x64xf32, #tpu.memory_space<vmem_shared>>
      tpu.wait_dma2 semaphore(%run_scoped3A : memref<!tpu.dma_semaphore, #tpu.memory_space<semaphore_mem>>) src(%dma_wait3A_93 : memref<640x64xf32, #tpu.memory_space<vmem_shared>>) dst(%dma_wait3A_91 : memref<640x64xf32, #tpu.memory_space<hbm>>)
      tpu.yield
    }) : () -> ()
    "tpu.region"() ({
      %run_scoped3A = tpu.sem_alloc : memref<!tpu.dma_semaphore, #tpu.memory_space<semaphore_mem>>
      %dma_start3A_84 = arith.constant 0 : i32
      %dma_start3A_85 = tpu.memref_slice %arg7[%arg0, %mul3A_0, %dma_start3A_84] : memref<2x10240x16xf32, #tpu.memory_space<hbm>> -> memref<1x640x16xf32, #tpu.memory_space<hbm>>
      %dma_start3A_86 = tpu.memref_squeeze %dma_start3A_85 : memref<1x640x16xf32, #tpu.memory_space<hbm>> -> memref<640x16xf32, #tpu.memory_space<hbm>>
      %dma_start3A_87 = arith.constant 0 : i32
      %dma_start3A_88 = tpu.memref_slice %arg16[%mul3A_0, %dma_start3A_87] : memref<10240x16xf32, #tpu.memory_space<vmem_shared>> -> memref<640x16xf32, #tpu.memory_space<vmem_shared>>
      tpu.enqueue_dma source(%dma_start3A_88 : memref<640x16xf32, #tpu.memory_space<vmem_shared>>) target(%dma_start3A_86 : memref<640x16xf32, #tpu.memory_space<hbm>>) target_semaphore(%run_scoped3A : memref<!tpu.dma_semaphore, #tpu.memory_space<semaphore_mem>>)
      %dma_wait3A_89 = arith.constant 0 : i32
      %dma_wait3A_90 = tpu.memref_slice %arg7[%arg0, %mul3A_0, %dma_wait3A_89] : memref<2x10240x16xf32, #tpu.memory_space<hbm>> -> memref<1x640x16xf32, #tpu.memory_space<hbm>>
      %dma_wait3A_91 = tpu.memref_squeeze %dma_wait3A_90 : memref<1x640x16xf32, #tpu.memory_space<hbm>> -> memref<640x16xf32, #tpu.memory_space<hbm>>
      %dma_wait3A_92 = arith.constant 0 : i32
      %dma_wait3A_93 = tpu.memref_slice %arg16[%mul3A_0, %dma_wait3A_92] : memref<10240x16xf32, #tpu.memory_space<vmem_shared>> -> memref<640x16xf32, #tpu.memory_space<vmem_shared>>
      tpu.wait_dma2 semaphore(%run_scoped3A : memref<!tpu.dma_semaphore, #tpu.memory_space<semaphore_mem>>) src(%dma_wait3A_93 : memref<640x16xf32, #tpu.memory_space<vmem_shared>>) dst(%dma_wait3A_91 : memref<640x16xf32, #tpu.memory_space<hbm>>)
      tpu.yield
    }) : () -> ()
    return
  }
}

#map = affine_map<(d0, d1) -> (0, 0)>
#map1 = affine_map<(d0, d1) -> (0, 0, 0)>
module attributes {stable_mosaic.version = 14 : i64} {
  func.func @_agg_kernel_body(%arg0: i32, %arg1: i32, %arg2: memref<10000x64xf32, #tpu.memory_space<hbm>>, %arg3: memref<10000x64xf32, #tpu.memory_space<hbm>>, %arg4: memref<16x160x125xi32, #tpu.memory_space<hbm>>, %arg5: memref<16x160x125xi32, #tpu.memory_space<hbm>>, %arg6: memref<2x10240x64xf32, #tpu.memory_space<hbm>>, %arg7: memref<160x125xi32, #tpu.memory_space<vmem>>, %arg8: memref<160x125xi32, #tpu.memory_space<vmem>>, %arg9: memref<125x64xf32, #tpu.memory_space<vmem>>, %arg10: memref<125x64xf32, #tpu.memory_space<vmem>>, %arg11: memref<128x64xf32, #tpu.memory_space<vmem>>, %arg12: memref<10240x64xf32, #tpu.memory_space<vmem_shared>>, %arg13: memref<!tpu.dma_semaphore, #tpu.memory_space<semaphore_mem>>, %arg14: memref<!tpu.dma_semaphore, #tpu.memory_space<semaphore_mem>>) attributes {dimension_semantics = [#tpu.dimension_semantics<core_parallel>, #tpu.dimension_semantics<subcore_parallel>], iteration_bounds = array<i64: 2, 16>, scalar_prefetch = 0 : i64, scratch_operands = 8 : i64, tpu.core_type = #tpu.core_type<sc_vector_subcore>, window_params = [{transform_indices = #map}, {transform_indices = #map}, {transform_indices = #map1}, {transform_indices = #map1}, {transform_indices = #map1}]} {
    %mul3A = arith.constant 640 : i32
    %mul3A_0 = arith.muli %arg1, %mul3A : i32
    %dma_start3A = arith.constant 0 : i32
    %dma_start3A_1 = arith.constant 0 : i32
    %dma_start3A_2 = tpu.memref_slice %arg4[%arg1, %dma_start3A, %dma_start3A_1] : memref<16x160x125xi32, #tpu.memory_space<hbm>> -> memref<1x160x125xi32, #tpu.memory_space<hbm>>
    %dma_start3A_3 = tpu.memref_squeeze %dma_start3A_2 : memref<1x160x125xi32, #tpu.memory_space<hbm>> -> memref<160x125xi32, #tpu.memory_space<hbm>>
    %dma_start3A_4 = arith.constant 0 : i32
    %dma_start3A_5 = arith.constant 0 : i32
    %dma_start3A_6 = tpu.memref_slice %arg4[%arg1, %dma_start3A_4, %dma_start3A_5] : memref<16x160x125xi32, #tpu.memory_space<hbm>> -> memref<1x160x125xi32, #tpu.memory_space<hbm>>
    %dma_start3A_7 = tpu.memref_squeeze %dma_start3A_6 : memref<1x160x125xi32, #tpu.memory_space<hbm>> -> memref<160x125xi32, #tpu.memory_space<hbm>>
    tpu.enqueue_dma source(%dma_start3A_7 : memref<160x125xi32, #tpu.memory_space<hbm>>) target(%arg7 : memref<160x125xi32, #tpu.memory_space<vmem>>) target_semaphore(%arg13 : memref<!tpu.dma_semaphore, #tpu.memory_space<semaphore_mem>>)
    %dma_start3A_8 = arith.constant 0 : i32
    %dma_start3A_9 = arith.constant 0 : i32
    %dma_start3A_10 = tpu.memref_slice %arg5[%arg1, %dma_start3A_8, %dma_start3A_9] : memref<16x160x125xi32, #tpu.memory_space<hbm>> -> memref<1x160x125xi32, #tpu.memory_space<hbm>>
    %dma_start3A_11 = tpu.memref_squeeze %dma_start3A_10 : memref<1x160x125xi32, #tpu.memory_space<hbm>> -> memref<160x125xi32, #tpu.memory_space<hbm>>
    %dma_start3A_12 = arith.constant 0 : i32
    %dma_start3A_13 = arith.constant 0 : i32
    %dma_start3A_14 = tpu.memref_slice %arg5[%arg1, %dma_start3A_12, %dma_start3A_13] : memref<16x160x125xi32, #tpu.memory_space<hbm>> -> memref<1x160x125xi32, #tpu.memory_space<hbm>>
    %dma_start3A_15 = tpu.memref_squeeze %dma_start3A_14 : memref<1x160x125xi32, #tpu.memory_space<hbm>> -> memref<160x125xi32, #tpu.memory_space<hbm>>
    tpu.enqueue_dma source(%dma_start3A_15 : memref<160x125xi32, #tpu.memory_space<hbm>>) target(%arg8 : memref<160x125xi32, #tpu.memory_space<vmem>>) target_semaphore(%arg14 : memref<!tpu.dma_semaphore, #tpu.memory_space<semaphore_mem>>)
    %broadcast_in_dim3A = arith.constant 0.000000e+00 : f32
    %broadcast_in_dim3A_16 = vector.broadcast %broadcast_in_dim3A : f32 to vector<16xf32>
    %scan3A = arith.constant 0 : i32
    %scan3A_17 = arith.constant 0 : i32
    %scan3A_18 = arith.constant 128 : i32
    %scan3A_19 = arith.addi %scan3A_17, %scan3A_18 : i32
    %scan3A_20 = arith.constant 1 : i32
    scf.for %scan3A_60 = %scan3A_17 to %scan3A_19 step %scan3A_20  : i32 {
      %swap3A = arith.index_cast %scan3A_60 : i32 to index
      %swap3A_61 = arith.constant 0 : index
      %swap3A_62 = tpu.vector_load %arg11[%swap3A, %swap3A_61] {strides = array<i32>} : memref<128x64xf32, #tpu.memory_space<vmem>>, vector<1x16xf32>,
      %swap3A_63 = vector.shape_cast %swap3A_62 : vector<1x16xf32> to vector<16xf32>
      %swap3A_64 = vector.shape_cast %broadcast_in_dim3A_16 : vector<16xf32> to vector<1x16xf32>
      tpu.vector_store %arg11[%swap3A, %swap3A_61], %swap3A_64 {strides = array<i32>} : memref<128x64xf32, #tpu.memory_space<vmem>>, vector<1x16xf32>,
      %swap3A_65 = arith.index_cast %scan3A_60 : i32 to index
      %swap3A_66 = arith.constant 16 : index
      %swap3A_67 = tpu.vector_load %arg11[%swap3A_65, %swap3A_66] {strides = array<i32>} : memref<128x64xf32, #tpu.memory_space<vmem>>, vector<1x16xf32>,
      %swap3A_68 = vector.shape_cast %swap3A_67 : vector<1x16xf32> to vector<16xf32>
      %swap3A_69 = vector.shape_cast %broadcast_in_dim3A_16 : vector<16xf32> to vector<1x16xf32>
      tpu.vector_store %arg11[%swap3A_65, %swap3A_66], %swap3A_69 {strides = array<i32>} : memref<128x64xf32, #tpu.memory_space<vmem>>, vector<1x16xf32>,
      %swap3A_70 = arith.index_cast %scan3A_60 : i32 to index
      %swap3A_71 = arith.constant 32 : index
      %swap3A_72 = tpu.vector_load %arg11[%swap3A_70, %swap3A_71] {strides = array<i32>} : memref<128x64xf32, #tpu.memory_space<vmem>>, vector<1x16xf32>,
      %swap3A_73 = vector.shape_cast %swap3A_72 : vector<1x16xf32> to vector<16xf32>
      %swap3A_74 = vector.shape_cast %broadcast_in_dim3A_16 : vector<16xf32> to vector<1x16xf32>
      tpu.vector_store %arg11[%swap3A_70, %swap3A_71], %swap3A_74 {strides = array<i32>} : memref<128x64xf32, #tpu.memory_space<vmem>>, vector<1x16xf32>,
      %swap3A_75 = arith.index_cast %scan3A_60 : i32 to index
      %swap3A_76 = arith.constant 48 : index
      %swap3A_77 = tpu.vector_load %arg11[%swap3A_75, %swap3A_76] {strides = array<i32>} : memref<128x64xf32, #tpu.memory_space<vmem>>, vector<1x16xf32>,
      %swap3A_78 = vector.shape_cast %swap3A_77 : vector<1x16xf32> to vector<16xf32>
      %swap3A_79 = vector.shape_cast %broadcast_in_dim3A_16 : vector<16xf32> to vector<1x16xf32>
      tpu.vector_store %arg11[%swap3A_75, %swap3A_76], %swap3A_79 {strides = array<i32>} : memref<128x64xf32, #tpu.memory_space<vmem>>, vector<1x16xf32>,
    }
    %scan3A_21 = arith.constant 128 : i32
    %add3A = arith.constant 0 : i32
    %add3A_22 = arith.addi %mul3A_0, %add3A : i32
    "tpu.region"() ({
      %run_scoped3A = tpu.sem_alloc : memref<!tpu.dma_semaphore, #tpu.memory_space<semaphore_mem>>
      %dma_start3A_60 = arith.constant 0 : i32
      %dma_start3A_61 = tpu.memref_slice %arg12[%add3A_22, %dma_start3A_60] : memref<10240x64xf32, #tpu.memory_space<vmem_shared>> -> memref<128x64xf32, #tpu.memory_space<vmem_shared>>
      %dma_start3A_62 = arith.constant 0 : i32
      %dma_start3A_63 = tpu.memref_slice %arg12[%add3A_22, %dma_start3A_62] : memref<10240x64xf32, #tpu.memory_space<vmem_shared>> -> memref<128x64xf32, #tpu.memory_space<vmem_shared>>
      tpu.enqueue_dma source(%arg11 : memref<128x64xf32, #tpu.memory_space<vmem>>) target(%dma_start3A_63 : memref<128x64xf32, #tpu.memory_space<vmem_shared>>) target_semaphore(%run_scoped3A : memref<!tpu.dma_semaphore, #tpu.memory_space<semaphore_mem>>)
      %dma_wait3A_64 = arith.constant 0 : i32
      %dma_wait3A_65 = tpu.memref_slice %arg12[%add3A_22, %dma_wait3A_64] : memref<10240x64xf32, #tpu.memory_space<vmem_shared>> -> memref<128x64xf32, #tpu.memory_space<vmem_shared>>
      %dma_wait3A_66 = arith.constant 0 : i32
      %dma_wait3A_67 = tpu.memref_slice %arg12[%add3A_22, %dma_wait3A_66] : memref<10240x64xf32, #tpu.memory_space<vmem_shared>> -> memref<128x64xf32, #tpu.memory_space<vmem_shared>>
      tpu.wait_dma2 semaphore(%run_scoped3A : memref<!tpu.dma_semaphore, #tpu.memory_space<semaphore_mem>>) src(%arg11 : memref<128x64xf32, #tpu.memory_space<vmem>>) dst(%dma_wait3A_67 : memref<128x64xf32, #tpu.memory_space<vmem_shared>>)
      tpu.yield
    }) : () -> ()
    %add3A_23 = arith.constant 128 : i32
    %add3A_24 = arith.addi %mul3A_0, %add3A_23 : i32
    "tpu.region"() ({
      %run_scoped3A = tpu.sem_alloc : memref<!tpu.dma_semaphore, #tpu.memory_space<semaphore_mem>>
      %dma_start3A_60 = arith.constant 0 : i32
      %dma_start3A_61 = tpu.memref_slice %arg12[%add3A_24, %dma_start3A_60] : memref<10240x64xf32, #tpu.memory_space<vmem_shared>> -> memref<128x64xf32, #tpu.memory_space<vmem_shared>>
      %dma_start3A_62 = arith.constant 0 : i32
      %dma_start3A_63 = tpu.memref_slice %arg12[%add3A_24, %dma_start3A_62] : memref<10240x64xf32, #tpu.memory_space<vmem_shared>> -> memref<128x64xf32, #tpu.memory_space<vmem_shared>>
      tpu.enqueue_dma source(%arg11 : memref<128x64xf32, #tpu.memory_space<vmem>>) target(%dma_start3A_63 : memref<128x64xf32, #tpu.memory_space<vmem_shared>>) target_semaphore(%run_scoped3A : memref<!tpu.dma_semaphore, #tpu.memory_space<semaphore_mem>>)
      %dma_wait3A_64 = arith.constant 0 : i32
      %dma_wait3A_65 = tpu.memref_slice %arg12[%add3A_24, %dma_wait3A_64] : memref<10240x64xf32, #tpu.memory_space<vmem_shared>> -> memref<128x64xf32, #tpu.memory_space<vmem_shared>>
      %dma_wait3A_66 = arith.constant 0 : i32
      %dma_wait3A_67 = tpu.memref_slice %arg12[%add3A_24, %dma_wait3A_66] : memref<10240x64xf32, #tpu.memory_space<vmem_shared>> -> memref<128x64xf32, #tpu.memory_space<vmem_shared>>
      tpu.wait_dma2 semaphore(%run_scoped3A : memref<!tpu.dma_semaphore, #tpu.memory_space<semaphore_mem>>) src(%arg11 : memref<128x64xf32, #tpu.memory_space<vmem>>) dst(%dma_wait3A_67 : memref<128x64xf32, #tpu.memory_space<vmem_shared>>)
      tpu.yield
    }) : () -> ()
    %add3A_25 = arith.constant 256 : i32
    %add3A_26 = arith.addi %mul3A_0, %add3A_25 : i32
    "tpu.region"() ({
      %run_scoped3A = tpu.sem_alloc : memref<!tpu.dma_semaphore, #tpu.memory_space<semaphore_mem>>
      %dma_start3A_60 = arith.constant 0 : i32
      %dma_start3A_61 = tpu.memref_slice %arg12[%add3A_26, %dma_start3A_60] : memref<10240x64xf32, #tpu.memory_space<vmem_shared>> -> memref<128x64xf32, #tpu.memory_space<vmem_shared>>
      %dma_start3A_62 = arith.constant 0 : i32
      %dma_start3A_63 = tpu.memref_slice %arg12[%add3A_26, %dma_start3A_62] : memref<10240x64xf32, #tpu.memory_space<vmem_shared>> -> memref<128x64xf32, #tpu.memory_space<vmem_shared>>
      tpu.enqueue_dma source(%arg11 : memref<128x64xf32, #tpu.memory_space<vmem>>) target(%dma_start3A_63 : memref<128x64xf32, #tpu.memory_space<vmem_shared>>) target_semaphore(%run_scoped3A : memref<!tpu.dma_semaphore, #tpu.memory_space<semaphore_mem>>)
      %dma_wait3A_64 = arith.constant 0 : i32
      %dma_wait3A_65 = tpu.memref_slice %arg12[%add3A_26, %dma_wait3A_64] : memref<10240x64xf32, #tpu.memory_space<vmem_shared>> -> memref<128x64xf32, #tpu.memory_space<vmem_shared>>
      %dma_wait3A_66 = arith.constant 0 : i32
      %dma_wait3A_67 = tpu.memref_slice %arg12[%add3A_26, %dma_wait3A_66] : memref<10240x64xf32, #tpu.memory_space<vmem_shared>> -> memref<128x64xf32, #tpu.memory_space<vmem_shared>>
      tpu.wait_dma2 semaphore(%run_scoped3A : memref<!tpu.dma_semaphore, #tpu.memory_space<semaphore_mem>>) src(%arg11 : memref<128x64xf32, #tpu.memory_space<vmem>>) dst(%dma_wait3A_67 : memref<128x64xf32, #tpu.memory_space<vmem_shared>>)
      tpu.yield
    }) : () -> ()
    %add3A_27 = arith.constant 384 : i32
    %add3A_28 = arith.addi %mul3A_0, %add3A_27 : i32
    "tpu.region"() ({
      %run_scoped3A = tpu.sem_alloc : memref<!tpu.dma_semaphore, #tpu.memory_space<semaphore_mem>>
      %dma_start3A_60 = arith.constant 0 : i32
      %dma_start3A_61 = tpu.memref_slice %arg12[%add3A_28, %dma_start3A_60] : memref<10240x64xf32, #tpu.memory_space<vmem_shared>> -> memref<128x64xf32, #tpu.memory_space<vmem_shared>>
      %dma_start3A_62 = arith.constant 0 : i32
      %dma_start3A_63 = tpu.memref_slice %arg12[%add3A_28, %dma_start3A_62] : memref<10240x64xf32, #tpu.memory_space<vmem_shared>> -> memref<128x64xf32, #tpu.memory_space<vmem_shared>>
      tpu.enqueue_dma source(%arg11 : memref<128x64xf32, #tpu.memory_space<vmem>>) target(%dma_start3A_63 : memref<128x64xf32, #tpu.memory_space<vmem_shared>>) target_semaphore(%run_scoped3A : memref<!tpu.dma_semaphore, #tpu.memory_space<semaphore_mem>>)
      %dma_wait3A_64 = arith.constant 0 : i32
      %dma_wait3A_65 = tpu.memref_slice %arg12[%add3A_28, %dma_wait3A_64] : memref<10240x64xf32, #tpu.memory_space<vmem_shared>> -> memref<128x64xf32, #tpu.memory_space<vmem_shared>>
      %dma_wait3A_66 = arith.constant 0 : i32
      %dma_wait3A_67 = tpu.memref_slice %arg12[%add3A_28, %dma_wait3A_66] : memref<10240x64xf32, #tpu.memory_space<vmem_shared>> -> memref<128x64xf32, #tpu.memory_space<vmem_shared>>
      tpu.wait_dma2 semaphore(%run_scoped3A : memref<!tpu.dma_semaphore, #tpu.memory_space<semaphore_mem>>) src(%arg11 : memref<128x64xf32, #tpu.memory_space<vmem>>) dst(%dma_wait3A_67 : memref<128x64xf32, #tpu.memory_space<vmem_shared>>)
      tpu.yield
    }) : () -> ()
    %add3A_29 = arith.constant 512 : i32
    %add3A_30 = arith.addi %mul3A_0, %add3A_29 : i32
    "tpu.region"() ({
      %run_scoped3A = tpu.sem_alloc : memref<!tpu.dma_semaphore, #tpu.memory_space<semaphore_mem>>
      %dma_start3A_60 = arith.constant 0 : i32
      %dma_start3A_61 = tpu.memref_slice %arg12[%add3A_30, %dma_start3A_60] : memref<10240x64xf32, #tpu.memory_space<vmem_shared>> -> memref<128x64xf32, #tpu.memory_space<vmem_shared>>
      %dma_start3A_62 = arith.constant 0 : i32
      %dma_start3A_63 = tpu.memref_slice %arg12[%add3A_30, %dma_start3A_62] : memref<10240x64xf32, #tpu.memory_space<vmem_shared>> -> memref<128x64xf32, #tpu.memory_space<vmem_shared>>
      tpu.enqueue_dma source(%arg11 : memref<128x64xf32, #tpu.memory_space<vmem>>) target(%dma_start3A_63 : memref<128x64xf32, #tpu.memory_space<vmem_shared>>) target_semaphore(%run_scoped3A : memref<!tpu.dma_semaphore, #tpu.memory_space<semaphore_mem>>)
      %dma_wait3A_64 = arith.constant 0 : i32
      %dma_wait3A_65 = tpu.memref_slice %arg12[%add3A_30, %dma_wait3A_64] : memref<10240x64xf32, #tpu.memory_space<vmem_shared>> -> memref<128x64xf32, #tpu.memory_space<vmem_shared>>
      %dma_wait3A_66 = arith.constant 0 : i32
      %dma_wait3A_67 = tpu.memref_slice %arg12[%add3A_30, %dma_wait3A_66] : memref<10240x64xf32, #tpu.memory_space<vmem_shared>> -> memref<128x64xf32, #tpu.memory_space<vmem_shared>>
      tpu.wait_dma2 semaphore(%run_scoped3A : memref<!tpu.dma_semaphore, #tpu.memory_space<semaphore_mem>>) src(%arg11 : memref<128x64xf32, #tpu.memory_space<vmem>>) dst(%dma_wait3A_67 : memref<128x64xf32, #tpu.memory_space<vmem_shared>>)
      tpu.yield
    }) : () -> ()
    %dma_wait3A = arith.constant 0 : i32
    %dma_wait3A_31 = arith.constant 0 : i32
    %dma_wait3A_32 = tpu.memref_slice %arg4[%arg1, %dma_wait3A, %dma_wait3A_31] : memref<16x160x125xi32, #tpu.memory_space<hbm>> -> memref<1x160x125xi32, #tpu.memory_space<hbm>>
    %dma_wait3A_33 = tpu.memref_squeeze %dma_wait3A_32 : memref<1x160x125xi32, #tpu.memory_space<hbm>> -> memref<160x125xi32, #tpu.memory_space<hbm>>
    %dma_wait3A_34 = arith.constant 0 : i32
    %dma_wait3A_35 = arith.constant 0 : i32
    %dma_wait3A_36 = tpu.memref_slice %arg4[%arg1, %dma_wait3A_34, %dma_wait3A_35] : memref<16x160x125xi32, #tpu.memory_space<hbm>> -> memref<1x160x125xi32, #tpu.memory_space<hbm>>
    %dma_wait3A_37 = tpu.memref_squeeze %dma_wait3A_36 : memref<1x160x125xi32, #tpu.memory_space<hbm>> -> memref<160x125xi32, #tpu.memory_space<hbm>>
    tpu.wait_dma2 semaphore(%arg13 : memref<!tpu.dma_semaphore, #tpu.memory_space<semaphore_mem>>) src(%dma_wait3A_37 : memref<160x125xi32, #tpu.memory_space<hbm>>) dst(%arg7 : memref<160x125xi32, #tpu.memory_space<vmem>>)
    %dma_wait3A_38 = arith.constant 0 : i32
    %dma_wait3A_39 = arith.constant 0 : i32
    %dma_wait3A_40 = tpu.memref_slice %arg5[%arg1, %dma_wait3A_38, %dma_wait3A_39] : memref<16x160x125xi32, #tpu.memory_space<hbm>> -> memref<1x160x125xi32, #tpu.memory_space<hbm>>
    %dma_wait3A_41 = tpu.memref_squeeze %dma_wait3A_40 : memref<1x160x125xi32, #tpu.memory_space<hbm>> -> memref<160x125xi32, #tpu.memory_space<hbm>>
    %dma_wait3A_42 = arith.constant 0 : i32
    %dma_wait3A_43 = arith.constant 0 : i32
    %dma_wait3A_44 = tpu.memref_slice %arg5[%arg1, %dma_wait3A_42, %dma_wait3A_43] : memref<16x160x125xi32, #tpu.memory_space<hbm>> -> memref<1x160x125xi32, #tpu.memory_space<hbm>>
    %dma_wait3A_45 = tpu.memref_squeeze %dma_wait3A_44 : memref<1x160x125xi32, #tpu.memory_space<hbm>> -> memref<160x125xi32, #tpu.memory_space<hbm>>
    tpu.wait_dma2 semaphore(%arg14 : memref<!tpu.dma_semaphore, #tpu.memory_space<semaphore_mem>>) src(%dma_wait3A_45 : memref<160x125xi32, #tpu.memory_space<hbm>>) dst(%arg8 : memref<160x125xi32, #tpu.memory_space<vmem>>)
    %barrier3A = arith.constant 0 : index
    tpu.barrier barrier_id(%barrier3A)
    %eq3A = arith.constant 0 : i32
    %eq3A_46 = arith.cmpi eq, %arg0, %eq3A : i32
    %convert_element_type3A = arith.extui %eq3A_46 : i1 to i32
    %cond3A = arith.constant 0 : i32
    %cond3A_47 = arith.cmpi ne, %convert_element_type3A, %cond3A : i32
    scf.if %cond3A_47 {
      %dma_start3A_60 = arith.constant 0 : i32
      %dma_start3A_61 = arith.constant 0 : i32
      %dma_start3A_62 = tpu.memref_slice %arg7[%dma_start3A_60, %dma_start3A_61] : memref<160x125xi32, #tpu.memory_space<vmem>> -> memref<1x125xi32, #tpu.memory_space<vmem>>
      %dma_start3A_63 = tpu.memref_squeeze %dma_start3A_62 : memref<1x125xi32, #tpu.memory_space<vmem>> -> memref<125xi32, #tpu.memory_space<vmem>>
      %dma_start3A_64 = arith.constant 0 : i32
      %dma_start3A_65 = arith.constant 0 : i32
      %dma_start3A_66 = tpu.memref_slice %arg2[%dma_start3A_64, %dma_start3A_65] : memref<10000x64xf32, #tpu.memory_space<hbm>> -> memref<10000x64xf32, #tpu.memory_space<hbm>>
      tpu.enqueue_indirect_dma source(%dma_start3A_66 : memref<10000x64xf32, #tpu.memory_space<hbm>>) target(%arg9 : memref<125x64xf32, #tpu.memory_space<vmem>>) offsets(%dma_start3A_63 : memref<125xi32, #tpu.memory_space<vmem>>) semaphore(%arg13 : memref<!tpu.dma_semaphore, #tpu.memory_space<semaphore_mem>>)
    } else {
    }
    %eq3A_48 = arith.constant 1 : i32
    %eq3A_49 = arith.cmpi eq, %arg0, %eq3A_48 : i32
    %convert_element_type3A_50 = arith.extui %eq3A_49 : i1 to i32
    %cond3A_51 = arith.constant 0 : i32
    %cond3A_52 = arith.cmpi ne, %convert_element_type3A_50, %cond3A_51 : i32
    scf.if %cond3A_52 {
      %dma_start3A_60 = arith.constant 0 : i32
      %dma_start3A_61 = arith.constant 0 : i32
      %dma_start3A_62 = tpu.memref_slice %arg7[%dma_start3A_60, %dma_start3A_61] : memref<160x125xi32, #tpu.memory_space<vmem>> -> memref<1x125xi32, #tpu.memory_space<vmem>>
      %dma_start3A_63 = tpu.memref_squeeze %dma_start3A_62 : memref<1x125xi32, #tpu.memory_space<vmem>> -> memref<125xi32, #tpu.memory_space<vmem>>
      %dma_start3A_64 = arith.constant 0 : i32
      %dma_start3A_65 = arith.constant 0 : i32
      %dma_start3A_66 = tpu.memref_slice %arg3[%dma_start3A_64, %dma_start3A_65] : memref<10000x64xf32, #tpu.memory_space<hbm>> -> memref<10000x64xf32, #tpu.memory_space<hbm>>
      tpu.enqueue_indirect_dma source(%dma_start3A_66 : memref<10000x64xf32, #tpu.memory_space<hbm>>) target(%arg9 : memref<125x64xf32, #tpu.memory_space<vmem>>) offsets(%dma_start3A_63 : memref<125xi32, #tpu.memory_space<vmem>>) semaphore(%arg13 : memref<!tpu.dma_semaphore, #tpu.memory_space<semaphore_mem>>)
    } else {
    }
    %scan3A_53 = arith.constant 0 : i32
    %scan3A_54 = arith.constant 0 : i32
    %scan3A_55 = arith.constant 80 : i32
    %scan3A_56 = arith.addi %scan3A_54, %scan3A_55 : i32
    %scan3A_57 = arith.constant 1 : i32
    scf.for %scan3A_60 = %scan3A_54 to %scan3A_56 step %scan3A_57  : i32 {
      %mul3A_61 = arith.constant 2 : i32
      %mul3A_62 = arith.muli %mul3A_61, %scan3A_60 : i32
      %add3A_63 = arith.constant 1 : i32
      %add3A_64 = arith.addi %mul3A_62, %add3A_63 : i32
      %eq3A_65 = arith.constant 0 : i32
      %eq3A_66 = arith.cmpi eq, %arg0, %eq3A_65 : i32
      %convert_element_type3A_67 = arith.extui %eq3A_66 : i1 to i32
      %cond3A_68 = arith.constant 0 : i32
      %cond3A_69 = arith.cmpi ne, %convert_element_type3A_67, %cond3A_68 : i32
      scf.if %cond3A_69 {
        %dma_start3A_97 = arith.constant 0 : i32
        %dma_start3A_98 = tpu.memref_slice %arg7[%add3A_64, %dma_start3A_97] : memref<160x125xi32, #tpu.memory_space<vmem>> -> memref<1x125xi32, #tpu.memory_space<vmem>>
        %dma_start3A_99 = tpu.memref_squeeze %dma_start3A_98 : memref<1x125xi32, #tpu.memory_space<vmem>> -> memref<125xi32, #tpu.memory_space<vmem>>
        %dma_start3A_100 = arith.constant 0 : i32
        %dma_start3A_101 = arith.constant 0 : i32
        %dma_start3A_102 = tpu.memref_slice %arg2[%dma_start3A_100, %dma_start3A_101] : memref<10000x64xf32, #tpu.memory_space<hbm>> -> memref<10000x64xf32, #tpu.memory_space<hbm>>
        tpu.enqueue_indirect_dma source(%dma_start3A_102 : memref<10000x64xf32, #tpu.memory_space<hbm>>) target(%arg10 : memref<125x64xf32, #tpu.memory_space<vmem>>) offsets(%dma_start3A_99 : memref<125xi32, #tpu.memory_space<vmem>>) semaphore(%arg14 : memref<!tpu.dma_semaphore, #tpu.memory_space<semaphore_mem>>)
      } else {
      }
      %eq3A_70 = arith.constant 1 : i32
      %eq3A_71 = arith.cmpi eq, %arg0, %eq3A_70 : i32
      %convert_element_type3A_72 = arith.extui %eq3A_71 : i1 to i32
      %cond3A_73 = arith.constant 0 : i32
      %cond3A_74 = arith.cmpi ne, %convert_element_type3A_72, %cond3A_73 : i32
      scf.if %cond3A_74 {
        %dma_start3A_97 = arith.constant 0 : i32
        %dma_start3A_98 = tpu.memref_slice %arg7[%add3A_64, %dma_start3A_97] : memref<160x125xi32, #tpu.memory_space<vmem>> -> memref<1x125xi32, #tpu.memory_space<vmem>>
        %dma_start3A_99 = tpu.memref_squeeze %dma_start3A_98 : memref<1x125xi32, #tpu.memory_space<vmem>> -> memref<125xi32, #tpu.memory_space<vmem>>
        %dma_start3A_100 = arith.constant 0 : i32
        %dma_start3A_101 = arith.constant 0 : i32
        %dma_start3A_102 = tpu.memref_slice %arg3[%dma_start3A_100, %dma_start3A_101] : memref<10000x64xf32, #tpu.memory_space<hbm>> -> memref<10000x64xf32, #tpu.memory_space<hbm>>
        tpu.enqueue_indirect_dma source(%dma_start3A_102 : memref<10000x64xf32, #tpu.memory_space<hbm>>) target(%arg10 : memref<125x64xf32, #tpu.memory_space<vmem>>) offsets(%dma_start3A_99 : memref<125xi32, #tpu.memory_space<vmem>>) semaphore(%arg14 : memref<!tpu.dma_semaphore, #tpu.memory_space<semaphore_mem>>)
      } else {
      }
      %dma_wait3A_75 = arith.constant 0 : i32
      %dma_wait3A_76 = arith.constant 0 : i32
      %dma_wait3A_77 = tpu.memref_slice %arg7[%dma_wait3A_75, %dma_wait3A_76] : memref<160x125xi32, #tpu.memory_space<vmem>> -> memref<1x125xi32, #tpu.memory_space<vmem>>
      %dma_wait3A_78 = tpu.memref_squeeze %dma_wait3A_77 : memref<1x125xi32, #tpu.memory_space<vmem>> -> memref<125xi32, #tpu.memory_space<vmem>>
      %dma_wait3A_79 = arith.constant 0 : i32
      %dma_wait3A_80 = arith.constant 0 : i32
      %dma_wait3A_81 = tpu.memref_slice %arg2[%dma_wait3A_79, %dma_wait3A_80] : memref<10000x64xf32, #tpu.memory_space<hbm>> -> memref<10000x64xf32, #tpu.memory_space<hbm>>
      tpu.wait_indirect_dma semaphore(%arg13 : memref<!tpu.dma_semaphore, #tpu.memory_space<semaphore_mem>>) src(%dma_wait3A_81 : memref<10000x64xf32, #tpu.memory_space<hbm>>) dst(%arg9 : memref<125x64xf32, #tpu.memory_space<vmem>>)
      "tpu.region"() ({
        %run_scoped3A = tpu.sem_alloc : memref<!tpu.dma_semaphore, #tpu.memory_space<semaphore_mem>>
        %dma_start3A_97 = arith.constant 0 : i32
        %dma_start3A_98 = tpu.memref_slice %arg8[%mul3A_62, %dma_start3A_97] : memref<160x125xi32, #tpu.memory_space<vmem>> -> memref<1x125xi32, #tpu.memory_space<vmem>>
        %dma_start3A_99 = tpu.memref_squeeze %dma_start3A_98 : memref<1x125xi32, #tpu.memory_space<vmem>> -> memref<125xi32, #tpu.memory_space<vmem>>
        %dma_start3A_100 = arith.constant 0 : i32
        %dma_start3A_101 = arith.constant 0 : i32
        %dma_start3A_102 = tpu.memref_slice %arg12[%dma_start3A_100, %dma_start3A_101] : memref<10240x64xf32, #tpu.memory_space<vmem_shared>> -> memref<10240x64xf32, #tpu.memory_space<vmem_shared>>
        tpu.enqueue_indirect_dma source(%arg9 : memref<125x64xf32, #tpu.memory_space<vmem>>) target(%dma_start3A_102 : memref<10240x64xf32, #tpu.memory_space<vmem_shared>>) offsets(%dma_start3A_99 : memref<125xi32, #tpu.memory_space<vmem>>) semaphore(%run_scoped3A : memref<!tpu.dma_semaphore, #tpu.memory_space<semaphore_mem>>) {add = true}
        %dma_wait3A_103 = arith.constant 0 : i32
        %dma_wait3A_104 = tpu.memref_slice %arg8[%mul3A_62, %dma_wait3A_103] : memref<160x125xi32, #tpu.memory_space<vmem>> -> memref<1x125xi32, #tpu.memory_space<vmem>>
        %dma_wait3A_105 = tpu.memref_squeeze %dma_wait3A_104 : memref<1x125xi32, #tpu.memory_space<vmem>> -> memref<125xi32, #tpu.memory_space<vmem>>
        %dma_wait3A_106 = arith.constant 0 : i32
        %dma_wait3A_107 = arith.constant 0 : i32
        %dma_wait3A_108 = tpu.memref_slice %arg12[%dma_wait3A_106, %dma_wait3A_107] : memref<10240x64xf32, #tpu.memory_space<vmem_shared>> -> memref<10240x64xf32, #tpu.memory_space<vmem_shared>>
        tpu.wait_indirect_dma semaphore(%run_scoped3A : memref<!tpu.dma_semaphore, #tpu.memory_space<semaphore_mem>>) src(%arg9 : memref<125x64xf32, #tpu.memory_space<vmem>>) dst(%dma_wait3A_108 : memref<10240x64xf32, #tpu.memory_space<vmem_shared>>)
        tpu.yield
      }) : () -> ()
      %add3A_82 = arith.constant 1 : i32
      %add3A_83 = arith.addi %scan3A_60, %add3A_82 : i32
      %lt3A = arith.constant 80 : i32
      %lt3A_84 = arith.cmpi slt, %add3A_83, %lt3A : i32
      %convert_element_type3A_85 = arith.extui %lt3A_84 : i1 to i32
      %cond3A_86 = arith.constant 0 : i32
      %cond3A_87 = arith.cmpi ne, %convert_element_type3A_85, %cond3A_86 : i32
      scf.if %cond3A_87 {
        %add3A_97 = arith.constant 2 : i32
        %add3A_98 = arith.addi %mul3A_62, %add3A_97 : i32
        %eq3A_99 = arith.constant 0 : i32
        %eq3A_100 = arith.cmpi eq, %arg0, %eq3A_99 : i32
        %convert_element_type3A_101 = arith.extui %eq3A_100 : i1 to i32
        %cond3A_102 = arith.constant 0 : i32
        %cond3A_103 = arith.cmpi ne, %convert_element_type3A_101, %cond3A_102 : i32
        scf.if %cond3A_103 {
          %dma_start3A_109 = arith.constant 0 : i32
          %dma_start3A_110 = tpu.memref_slice %arg7[%add3A_98, %dma_start3A_109] : memref<160x125xi32, #tpu.memory_space<vmem>> -> memref<1x125xi32, #tpu.memory_space<vmem>>
          %dma_start3A_111 = tpu.memref_squeeze %dma_start3A_110 : memref<1x125xi32, #tpu.memory_space<vmem>> -> memref<125xi32, #tpu.memory_space<vmem>>
          %dma_start3A_112 = arith.constant 0 : i32
          %dma_start3A_113 = arith.constant 0 : i32
          %dma_start3A_114 = tpu.memref_slice %arg2[%dma_start3A_112, %dma_start3A_113] : memref<10000x64xf32, #tpu.memory_space<hbm>> -> memref<10000x64xf32, #tpu.memory_space<hbm>>
          tpu.enqueue_indirect_dma source(%dma_start3A_114 : memref<10000x64xf32, #tpu.memory_space<hbm>>) target(%arg9 : memref<125x64xf32, #tpu.memory_space<vmem>>) offsets(%dma_start3A_111 : memref<125xi32, #tpu.memory_space<vmem>>) semaphore(%arg13 : memref<!tpu.dma_semaphore, #tpu.memory_space<semaphore_mem>>)
        } else {
        }
        %eq3A_104 = arith.constant 1 : i32
        %eq3A_105 = arith.cmpi eq, %arg0, %eq3A_104 : i32
        %convert_element_type3A_106 = arith.extui %eq3A_105 : i1 to i32
        %cond3A_107 = arith.constant 0 : i32
        %cond3A_108 = arith.cmpi ne, %convert_element_type3A_106, %cond3A_107 : i32
        scf.if %cond3A_108 {
          %dma_start3A_109 = arith.constant 0 : i32
          %dma_start3A_110 = tpu.memref_slice %arg7[%add3A_98, %dma_start3A_109] : memref<160x125xi32, #tpu.memory_space<vmem>> -> memref<1x125xi32, #tpu.memory_space<vmem>>
          %dma_start3A_111 = tpu.memref_squeeze %dma_start3A_110 : memref<1x125xi32, #tpu.memory_space<vmem>> -> memref<125xi32, #tpu.memory_space<vmem>>
          %dma_start3A_112 = arith.constant 0 : i32
          %dma_start3A_113 = arith.constant 0 : i32
          %dma_start3A_114 = tpu.memref_slice %arg3[%dma_start3A_112, %dma_start3A_113] : memref<10000x64xf32, #tpu.memory_space<hbm>> -> memref<10000x64xf32, #tpu.memory_space<hbm>>
          tpu.enqueue_indirect_dma source(%dma_start3A_114 : memref<10000x64xf32, #tpu.memory_space<hbm>>) target(%arg9 : memref<125x64xf32, #tpu.memory_space<vmem>>) offsets(%dma_start3A_111 : memref<125xi32, #tpu.memory_space<vmem>>) semaphore(%arg13 : memref<!tpu.dma_semaphore, #tpu.memory_space<semaphore_mem>>)
        } else {
        }
      } else {
      }
      %dma_wait3A_88 = arith.constant 0 : i32
      %dma_wait3A_89 = arith.constant 0 : i32
      %dma_wait3A_90 = tpu.memref_slice %arg7[%dma_wait3A_88, %dma_wait3A_89] : memref<160x125xi32, #tpu.memory_space<vmem>> -> memref<1x125xi32, #tpu.memory_space<vmem>>
      %dma_wait3A_91 = tpu.memref_squeeze %dma_wait3A_90 : memref<1x125xi32, #tpu.memory_space<vmem>> -> memref<125xi32, #tpu.memory_space<vmem>>
      %dma_wait3A_92 = arith.constant 0 : i32
      %dma_wait3A_93 = arith.constant 0 : i32
      %dma_wait3A_94 = tpu.memref_slice %arg2[%dma_wait3A_92, %dma_wait3A_93] : memref<10000x64xf32, #tpu.memory_space<hbm>> -> memref<10000x64xf32, #tpu.memory_space<hbm>>
      tpu.wait_indirect_dma semaphore(%arg14 : memref<!tpu.dma_semaphore, #tpu.memory_space<semaphore_mem>>) src(%dma_wait3A_94 : memref<10000x64xf32, #tpu.memory_space<hbm>>) dst(%arg10 : memref<125x64xf32, #tpu.memory_space<vmem>>)
      %add3A_95 = arith.constant 1 : i32
      %add3A_96 = arith.addi %mul3A_62, %add3A_95 : i32
      "tpu.region"() ({
        %run_scoped3A = tpu.sem_alloc : memref<!tpu.dma_semaphore, #tpu.memory_space<semaphore_mem>>
        %dma_start3A_97 = arith.constant 0 : i32
        %dma_start3A_98 = tpu.memref_slice %arg8[%add3A_96, %dma_start3A_97] : memref<160x125xi32, #tpu.memory_space<vmem>> -> memref<1x125xi32, #tpu.memory_space<vmem>>
        %dma_start3A_99 = tpu.memref_squeeze %dma_start3A_98 : memref<1x125xi32, #tpu.memory_space<vmem>> -> memref<125xi32, #tpu.memory_space<vmem>>
        %dma_start3A_100 = arith.constant 0 : i32
        %dma_start3A_101 = arith.constant 0 : i32
        %dma_start3A_102 = tpu.memref_slice %arg12[%dma_start3A_100, %dma_start3A_101] : memref<10240x64xf32, #tpu.memory_space<vmem_shared>> -> memref<10240x64xf32, #tpu.memory_space<vmem_shared>>
        tpu.enqueue_indirect_dma source(%arg10 : memref<125x64xf32, #tpu.memory_space<vmem>>) target(%dma_start3A_102 : memref<10240x64xf32, #tpu.memory_space<vmem_shared>>) offsets(%dma_start3A_99 : memref<125xi32, #tpu.memory_space<vmem>>) semaphore(%run_scoped3A : memref<!tpu.dma_semaphore, #tpu.memory_space<semaphore_mem>>) {add = true}
        %dma_wait3A_103 = arith.constant 0 : i32
        %dma_wait3A_104 = tpu.memref_slice %arg8[%add3A_96, %dma_wait3A_103] : memref<160x125xi32, #tpu.memory_space<vmem>> -> memref<1x125xi32, #tpu.memory_space<vmem>>
        %dma_wait3A_105 = tpu.memref_squeeze %dma_wait3A_104 : memref<1x125xi32, #tpu.memory_space<vmem>> -> memref<125xi32, #tpu.memory_space<vmem>>
        %dma_wait3A_106 = arith.constant 0 : i32
        %dma_wait3A_107 = arith.constant 0 : i32
        %dma_wait3A_108 = tpu.memref_slice %arg12[%dma_wait3A_106, %dma_wait3A_107] : memref<10240x64xf32, #tpu.memory_space<vmem_shared>> -> memref<10240x64xf32, #tpu.memory_space<vmem_shared>>
        tpu.wait_indirect_dma semaphore(%run_scoped3A : memref<!tpu.dma_semaphore, #tpu.memory_space<semaphore_mem>>) src(%arg10 : memref<125x64xf32, #tpu.memory_space<vmem>>) dst(%dma_wait3A_108 : memref<10240x64xf32, #tpu.memory_space<vmem_shared>>)
        tpu.yield
      }) : () -> ()
    }
    %scan3A_58 = arith.constant 80 : i32
    %barrier3A_59 = arith.constant 0 : index
    tpu.barrier barrier_id(%barrier3A_59)
    "tpu.region"() ({
      %run_scoped3A = tpu.sem_alloc : memref<!tpu.dma_semaphore, #tpu.memory_space<semaphore_mem>>
      %dma_start3A_60 = arith.constant 0 : i32
      %dma_start3A_61 = tpu.memref_slice %arg6[%arg0, %mul3A_0, %dma_start3A_60] : memref<2x10240x64xf32, #tpu.memory_space<hbm>> -> memref<1x640x64xf32, #tpu.memory_space<hbm>>
      %dma_start3A_62 = tpu.memref_squeeze %dma_start3A_61 : memref<1x640x64xf32, #tpu.memory_space<hbm>> -> memref<640x64xf32, #tpu.memory_space<hbm>>
      %dma_start3A_63 = arith.constant 0 : i32
      %dma_start3A_64 = tpu.memref_slice %arg12[%mul3A_0, %dma_start3A_63] : memref<10240x64xf32, #tpu.memory_space<vmem_shared>> -> memref<640x64xf32, #tpu.memory_space<vmem_shared>>
      tpu.enqueue_dma source(%dma_start3A_64 : memref<640x64xf32, #tpu.memory_space<vmem_shared>>) target(%dma_start3A_62 : memref<640x64xf32, #tpu.memory_space<hbm>>) target_semaphore(%run_scoped3A : memref<!tpu.dma_semaphore, #tpu.memory_space<semaphore_mem>>)
      %dma_wait3A_65 = arith.constant 0 : i32
      %dma_wait3A_66 = tpu.memref_slice %arg6[%arg0, %mul3A_0, %dma_wait3A_65] : memref<2x10240x64xf32, #tpu.memory_space<hbm>> -> memref<1x640x64xf32, #tpu.memory_space<hbm>>
      %dma_wait3A_67 = tpu.memref_squeeze %dma_wait3A_66 : memref<1x640x64xf32, #tpu.memory_space<hbm>> -> memref<640x64xf32, #tpu.memory_space<hbm>>
      %dma_wait3A_68 = arith.constant 0 : i32
      %dma_wait3A_69 = tpu.memref_slice %arg12[%mul3A_0, %dma_wait3A_68] : memref<10240x64xf32, #tpu.memory_space<vmem_shared>> -> memref<640x64xf32, #tpu.memory_space<vmem_shared>>
      tpu.wait_dma2 semaphore(%run_scoped3A : memref<!tpu.dma_semaphore, #tpu.memory_space<semaphore_mem>>) src(%dma_wait3A_69 : memref<640x64xf32, #tpu.memory_space<vmem_shared>>) dst(%dma_wait3A_67 : memref<640x64xf32, #tpu.memory_space<hbm>>)
      tpu.yield
    }) : () -> ()
    return
  }
}

module attributes {stable_mosaic.version = 14 : i64} {
  func.func @_dense_body(%arg0: i32, %arg1: memref<2x2000x64xf32, #tpu.memory_space<vmem>>, %arg2: memref<2x2000x16xf32, #tpu.memory_space<vmem>>, %arg3: memref<2x2000x64xf32, #tpu.memory_space<vmem>>, %arg4: memref<2x64x128xf32, #tpu.memory_space<vmem>>, %arg5: memref<2x1x64xf32, #tpu.memory_space<vmem>>, %arg6: memref<2x64x128xf32, #tpu.memory_space<vmem>>, %arg7: memref<2x2000x64xf32, #tpu.memory_space<vmem>>) attributes {dimension_semantics = [#tpu.dimension_semantics<arbitrary>], iteration_bounds = array<i64: 5>, scalar_prefetch = 0 : i64, scratch_operands = 0 : i64, tpu.core_type = #tpu.core_type<tc>, window_params = [{transform_indices = @transform_0, window_bounds = array<i64: 2, 2000, 64>}, {transform_indices = @transform_1, window_bounds = array<i64: 2, 2000, 16>}, {transform_indices = @transform_2, window_bounds = array<i64: 2, 2000, 64>}, {pipeline_mode = #tpu.pipeline_mode<synchronous>, transform_indices = @transform_3, window_bounds = array<i64: 2, 64, 128>}, {pipeline_mode = #tpu.pipeline_mode<synchronous>, transform_indices = @transform_4, window_bounds = array<i64: 2, 1, 64>}, {pipeline_mode = #tpu.pipeline_mode<synchronous>, transform_indices = @transform_5, window_bounds = array<i64: 2, 64, 128>}, {transform_indices = @transform_6, window_bounds = array<i64: 2, 2000, 64>}]} {
    %get3A = arith.constant 0 : index
    %get3A_0 = arith.constant 0 : index
    %get3A_1 = arith.constant 0 : index
    %get3A_2 = vector.load %arg1[%get3A, %get3A_0, %get3A_1] : memref<2x2000x64xf32, #tpu.memory_space<vmem>>, vector<1x2000x64xf32>
    %get3A_3 = vector.shape_cast %get3A_2 : vector<1x2000x64xf32> to vector<2000x64xf32>
    %get3A_4 = arith.constant 1 : index
    %get3A_5 = arith.constant 0 : index
    %get3A_6 = arith.constant 0 : index
    %get3A_7 = vector.load %arg1[%get3A_4, %get3A_5, %get3A_6] : memref<2x2000x64xf32, #tpu.memory_space<vmem>>, vector<1x2000x64xf32>
    %get3A_8 = vector.shape_cast %get3A_7 : vector<1x2000x64xf32> to vector<2000x64xf32>
    %concatenate3A = tpu.concatenate %get3A_3, %get3A_8 in 1 : vector<2000x64xf32>, vector<2000x64xf32> -> vector<2000x128xf32>
    %get3A_9 = arith.constant 0 : index
    %get3A_10 = arith.constant 0 : index
    %get3A_11 = arith.constant 0 : index
    %get3A_12 = vector.load %arg2[%get3A_9, %get3A_10, %get3A_11] : memref<2x2000x16xf32, #tpu.memory_space<vmem>>, vector<1x2000x16xf32>
    %get3A_13 = vector.shape_cast %get3A_12 : vector<1x2000x16xf32> to vector<2000x16xf32>
    %get3A_14 = arith.constant 1 : index
    %get3A_15 = arith.constant 0 : index
    %get3A_16 = arith.constant 0 : index
    %get3A_17 = vector.load %arg2[%get3A_14, %get3A_15, %get3A_16] : memref<2x2000x16xf32, #tpu.memory_space<vmem>>, vector<1x2000x16xf32>
    %get3A_18 = vector.shape_cast %get3A_17 : vector<1x2000x16xf32> to vector<2000x16xf32>
    %add3A = arith.addf %get3A_13, %get3A_18 : vector<2000x16xf32>
    %slice3A = vector.extract_strided_slice %add3A {offsets = [0, 0], sizes = [2000, 1], strides = [1, 1]} : vector<2000x16xf32> to vector<2000x1xf32>
    %max3A = arith.constant 1.000000e+00 : f32
    %max3A_19 = vector.broadcast %max3A : f32 to vector<2000x1xf32>
    %max3A_20 = arith.maximumf %slice3A, %max3A_19 : vector<2000x1xf32>
    %div3A = vector.broadcast %max3A_20 : vector<2000x1xf32> to vector<2000x128xf32>
    %div3A_21 = arith.divf %concatenate3A, %div3A : vector<2000x128xf32>
    %get3A_22 = arith.constant 0 : index
    %get3A_23 = arith.constant 0 : index
    %get3A_24 = arith.constant 0 : index
    %get3A_25 = vector.load %arg3[%get3A_22, %get3A_23, %get3A_24] : memref<2x2000x64xf32, #tpu.memory_space<vmem>>, vector<1x2000x64xf32>
    %get3A_26 = vector.shape_cast %get3A_25 : vector<1x2000x64xf32> to vector<2000x64xf32>
    %get3A_27 = arith.constant 1 : index
    %get3A_28 = arith.constant 0 : index
    %get3A_29 = arith.constant 0 : index
    %get3A_30 = vector.load %arg3[%get3A_27, %get3A_28, %get3A_29] : memref<2x2000x64xf32, #tpu.memory_space<vmem>>, vector<1x2000x64xf32>
    %get3A_31 = vector.shape_cast %get3A_30 : vector<1x2000x64xf32> to vector<2000x64xf32>
    %concatenate3A_32 = tpu.concatenate %get3A_26, %get3A_31 in 1 : vector<2000x64xf32>, vector<2000x64xf32> -> vector<2000x128xf32>
    %get3A_33 = arith.constant 0 : index
    %get3A_34 = arith.constant 0 : index
    %get3A_35 = arith.constant 0 : index
    %get3A_36 = vector.load %arg4[%get3A_33, %get3A_34, %get3A_35] : memref<2x64x128xf32, #tpu.memory_space<vmem>>, vector<1x64x128xf32>
    %get3A_37 = vector.shape_cast %get3A_36 : vector<1x64x128xf32> to vector<64x128xf32>
    %dot_general3A = arith.constant dense<0.000000e+00> : vector<2000x64xf32>
    %dot_general3A_38 = tpu.matmul %div3A_21, %get3A_37, %dot_general3A {dimension_numbers = #tpu.dot_dimension_numbers<[1], [1], [0], [0], [0, 0, 1, 0], [], []>, transpose_lhs_hint = false} : vector<2000x128xf32>, vector<64x128xf32>, vector<2000x64xf32> -> vector<2000x64xf32>
    %get3A_39 = arith.constant 0 : index
    %get3A_40 = arith.constant 0 : index
    %get3A_41 = arith.constant 0 : index
    %get3A_42 = vector.load %arg5[%get3A_39, %get3A_40, %get3A_41] : memref<2x1x64xf32, #tpu.memory_space<vmem>>, vector<1x1x64xf32>
    %get3A_43 = vector.shape_cast %get3A_42 : vector<1x1x64xf32> to vector<1x64xf32>
    %add3A_44 = vector.broadcast %get3A_43 : vector<1x64xf32> to vector<2000x64xf32>
    %add3A_45 = arith.addf %dot_general3A_38, %add3A_44 : vector<2000x64xf32>
    %get3A_46 = arith.constant 0 : index
    %get3A_47 = arith.constant 0 : index
    %get3A_48 = arith.constant 0 : index
    %get3A_49 = vector.load %arg6[%get3A_46, %get3A_47, %get3A_48] : memref<2x64x128xf32, #tpu.memory_space<vmem>>, vector<1x64x128xf32>
    %get3A_50 = vector.shape_cast %get3A_49 : vector<1x64x128xf32> to vector<64x128xf32>
    %dot_general3A_51 = arith.constant dense<0.000000e+00> : vector<2000x64xf32>
    %dot_general3A_52 = tpu.matmul %concatenate3A_32, %get3A_50, %dot_general3A_51 {dimension_numbers = #tpu.dot_dimension_numbers<[1], [1], [0], [0], [0, 0, 1, 0], [], []>, transpose_lhs_hint = false} : vector<2000x128xf32>, vector<64x128xf32>, vector<2000x64xf32> -> vector<2000x64xf32>
    %add3A_53 = arith.addf %add3A_45, %dot_general3A_52 : vector<2000x64xf32>
    %max3A_54 = arith.constant 0.000000e+00 : f32
    %max3A_55 = vector.broadcast %max3A_54 : f32 to vector<2000x64xf32>
    %max3A_56 = arith.maximumf %add3A_53, %max3A_55 : vector<2000x64xf32>
    %swap3A = arith.constant 0 : index
    %swap3A_57 = arith.constant 0 : index
    %swap3A_58 = arith.constant 0 : index
    %swap3A_59 = vector.load %arg7[%swap3A, %swap3A_57, %swap3A_58] : memref<2x2000x64xf32, #tpu.memory_space<vmem>>, vector<1x2000x64xf32>
    %swap3A_60 = vector.shape_cast %swap3A_59 : vector<1x2000x64xf32> to vector<2000x64xf32>
    %swap3A_61 = vector.shape_cast %max3A_56 : vector<2000x64xf32> to vector<1x2000x64xf32>
    tpu.vector_store %arg7[%swap3A, %swap3A_57, %swap3A_58], %swap3A_61 {strides = array<i32>} : memref<2x2000x64xf32, #tpu.memory_space<vmem>>, vector<1x2000x64xf32>,
    %get3A_62 = arith.constant 1 : index
    %get3A_63 = arith.constant 0 : index
    %get3A_64 = arith.constant 0 : index
    %get3A_65 = vector.load %arg4[%get3A_62, %get3A_63, %get3A_64] : memref<2x64x128xf32, #tpu.memory_space<vmem>>, vector<1x64x128xf32>
    %get3A_66 = vector.shape_cast %get3A_65 : vector<1x64x128xf32> to vector<64x128xf32>
    %dot_general3A_67 = arith.constant dense<0.000000e+00> : vector<2000x64xf32>
    %dot_general3A_68 = tpu.matmul %div3A_21, %get3A_66, %dot_general3A_67 {dimension_numbers = #tpu.dot_dimension_numbers<[1], [1], [0], [0], [0, 0, 1, 0], [], []>, transpose_lhs_hint = false} : vector<2000x128xf32>, vector<64x128xf32>, vector<2000x64xf32> -> vector<2000x64xf32>
    %get3A_69 = arith.constant 1 : index
    %get3A_70 = arith.constant 0 : index
    %get3A_71 = arith.constant 0 : index
    %get3A_72 = vector.load %arg5[%get3A_69, %get3A_70, %get3A_71] : memref<2x1x64xf32, #tpu.memory_space<vmem>>, vector<1x1x64xf32>
    %get3A_73 = vector.shape_cast %get3A_72 : vector<1x1x64xf32> to vector<1x64xf32>
    %add3A_74 = vector.broadcast %get3A_73 : vector<1x64xf32> to vector<2000x64xf32>
    %add3A_75 = arith.addf %dot_general3A_68, %add3A_74 : vector<2000x64xf32>
    %get3A_76 = arith.constant 1 : index
    %get3A_77 = arith.constant 0 : index
    %get3A_78 = arith.constant 0 : index
    %get3A_79 = vector.load %arg6[%get3A_76, %get3A_77, %get3A_78] : memref<2x64x128xf32, #tpu.memory_space<vmem>>, vector<1x64x128xf32>
    %get3A_80 = vector.shape_cast %get3A_79 : vector<1x64x128xf32> to vector<64x128xf32>
    %dot_general3A_81 = arith.constant dense<0.000000e+00> : vector<2000x64xf32>
    %dot_general3A_82 = tpu.matmul %concatenate3A_32, %get3A_80, %dot_general3A_81 {dimension_numbers = #tpu.dot_dimension_numbers<[1], [1], [0], [0], [0, 0, 1, 0], [], []>, transpose_lhs_hint = false} : vector<2000x128xf32>, vector<64x128xf32>, vector<2000x64xf32> -> vector<2000x64xf32>
    %add3A_83 = arith.addf %add3A_75, %dot_general3A_82 : vector<2000x64xf32>
    %max3A_84 = arith.constant 0.000000e+00 : f32
    %max3A_85 = vector.broadcast %max3A_84 : f32 to vector<2000x64xf32>
    %max3A_86 = arith.maximumf %add3A_83, %max3A_85 : vector<2000x64xf32>
    %swap3A_87 = arith.constant 1 : index
    %swap3A_88 = arith.constant 0 : index
    %swap3A_89 = arith.constant 0 : index
    %swap3A_90 = vector.load %arg7[%swap3A_87, %swap3A_88, %swap3A_89] : memref<2x2000x64xf32, #tpu.memory_space<vmem>>, vector<1x2000x64xf32>
    %swap3A_91 = vector.shape_cast %swap3A_90 : vector<1x2000x64xf32> to vector<2000x64xf32>
    %swap3A_92 = vector.shape_cast %max3A_86 : vector<2000x64xf32> to vector<1x2000x64xf32>
    tpu.vector_store %arg7[%swap3A_87, %swap3A_88, %swap3A_89], %swap3A_92 {strides = array<i32>} : memref<2x2000x64xf32, #tpu.memory_space<vmem>>, vector<1x2000x64xf32>,
    return
  }
  func.func @transform_0(%arg0: i32) -> (i32, i32, i32) {
    %c0_i32 = arith.constant 0 : i32
    %c0_i32_0 = arith.constant 0 : i32
    %c0_i32_1 = arith.constant 0 : i32
    return %c0_i32, %arg0, %c0_i32_0 : i32, i32, i32
  }
  func.func @transform_1(%arg0: i32) -> (i32, i32, i32) {
    %c0_i32 = arith.constant 0 : i32
    %c0_i32_0 = arith.constant 0 : i32
    %c0_i32_1 = arith.constant 0 : i32
    return %c0_i32, %arg0, %c0_i32_0 : i32, i32, i32
  }
  func.func @transform_2(%arg0: i32) -> (i32, i32, i32) {
    %c0_i32 = arith.constant 0 : i32
    %c0_i32_0 = arith.constant 0 : i32
    %c0_i32_1 = arith.constant 0 : i32
    return %c0_i32, %arg0, %c0_i32_0 : i32, i32, i32
  }
  func.func @transform_3(%arg0: i32) -> (i32, i32, i32) {
    %c0_i32 = arith.constant 0 : i32
    %c0_i32_0 = arith.constant 0 : i32
    %c0_i32_1 = arith.constant 0 : i32
    %c0_i32_2 = arith.constant 0 : i32
    return %c0_i32, %c0_i32_0, %c0_i32_1 : i32, i32, i32
  }
  func.func @transform_4(%arg0: i32) -> (i32, i32, i32) {
    %c0_i32 = arith.constant 0 : i32
    %c0_i32_0 = arith.constant 0 : i32
    %c0_i32_1 = arith.constant 0 : i32
    %c0_i32_2 = arith.constant 0 : i32
    return %c0_i32, %c0_i32_0, %c0_i32_1 : i32, i32, i32
  }
  func.func @transform_5(%arg0: i32) -> (i32, i32, i32) {
    %c0_i32 = arith.constant 0 : i32
    %c0_i32_0 = arith.constant 0 : i32
    %c0_i32_1 = arith.constant 0 : i32
    %c0_i32_2 = arith.constant 0 : i32
    return %c0_i32, %c0_i32_0, %c0_i32_1 : i32, i32, i32
  }
  func.func @transform_6(%arg0: i32) -> (i32, i32, i32) {
    %c0_i32 = arith.constant 0 : i32
    %c0_i32_0 = arith.constant 0 : i32
    %c0_i32_1 = arith.constant 0 : i32
    return %c0_i32, %arg0, %c0_i32_0 : i32, i32, i32
  }
}

module attributes {stable_mosaic.version = 14 : i64} {
  func.func @_dense_body(%arg0: i32, %arg1: memref<2x2000x64xf32, #tpu.memory_space<vmem>>, %arg2: memref<2x2000x16xf32, #tpu.memory_space<vmem>>, %arg3: memref<2x2000x64xf32, #tpu.memory_space<vmem>>, %arg4: memref<2x64x128xf32, #tpu.memory_space<vmem>>, %arg5: memref<2x1x64xf32, #tpu.memory_space<vmem>>, %arg6: memref<2x64x128xf32, #tpu.memory_space<vmem>>, %arg7: memref<2x2000x64xf32, #tpu.memory_space<vmem>>) attributes {dimension_semantics = [#tpu.dimension_semantics<arbitrary>], iteration_bounds = array<i64: 5>, scalar_prefetch = 0 : i64, scratch_operands = 0 : i64, tpu.core_type = #tpu.core_type<tc>, window_params = [{transform_indices = @transform_0, window_bounds = array<i64: 2, 2000, 64>}, {transform_indices = @transform_1, window_bounds = array<i64: 2, 2000, 16>}, {transform_indices = @transform_2, window_bounds = array<i64: 2, 2000, 64>}, {pipeline_mode = #tpu.pipeline_mode<synchronous>, transform_indices = @transform_3, window_bounds = array<i64: 2, 64, 128>}, {pipeline_mode = #tpu.pipeline_mode<synchronous>, transform_indices = @transform_4, window_bounds = array<i64: 2, 1, 64>}, {pipeline_mode = #tpu.pipeline_mode<synchronous>, transform_indices = @transform_5, window_bounds = array<i64: 2, 64, 128>}, {transform_indices = @transform_6, window_bounds = array<i64: 2, 2000, 64>}]} {
    %get3A = arith.constant 0 : index
    %get3A_0 = arith.constant 0 : index
    %get3A_1 = arith.constant 0 : index
    %get3A_2 = vector.load %arg1[%get3A, %get3A_0, %get3A_1] : memref<2x2000x64xf32, #tpu.memory_space<vmem>>, vector<1x2000x64xf32>
    %get3A_3 = vector.shape_cast %get3A_2 : vector<1x2000x64xf32> to vector<2000x64xf32>
    %get3A_4 = arith.constant 1 : index
    %get3A_5 = arith.constant 0 : index
    %get3A_6 = arith.constant 0 : index
    %get3A_7 = vector.load %arg1[%get3A_4, %get3A_5, %get3A_6] : memref<2x2000x64xf32, #tpu.memory_space<vmem>>, vector<1x2000x64xf32>
    %get3A_8 = vector.shape_cast %get3A_7 : vector<1x2000x64xf32> to vector<2000x64xf32>
    %concatenate3A = tpu.concatenate %get3A_3, %get3A_8 in 1 : vector<2000x64xf32>, vector<2000x64xf32> -> vector<2000x128xf32>
    %get3A_9 = arith.constant 0 : index
    %get3A_10 = arith.constant 0 : index
    %get3A_11 = arith.constant 0 : index
    %get3A_12 = vector.load %arg2[%get3A_9, %get3A_10, %get3A_11] : memref<2x2000x16xf32, #tpu.memory_space<vmem>>, vector<1x2000x16xf32>
    %get3A_13 = vector.shape_cast %get3A_12 : vector<1x2000x16xf32> to vector<2000x16xf32>
    %get3A_14 = arith.constant 1 : index
    %get3A_15 = arith.constant 0 : index
    %get3A_16 = arith.constant 0 : index
    %get3A_17 = vector.load %arg2[%get3A_14, %get3A_15, %get3A_16] : memref<2x2000x16xf32, #tpu.memory_space<vmem>>, vector<1x2000x16xf32>
    %get3A_18 = vector.shape_cast %get3A_17 : vector<1x2000x16xf32> to vector<2000x16xf32>
    %add3A = arith.addf %get3A_13, %get3A_18 : vector<2000x16xf32>
    %slice3A = vector.extract_strided_slice %add3A {offsets = [0, 0], sizes = [2000, 1], strides = [1, 1]} : vector<2000x16xf32> to vector<2000x1xf32>
    %max3A = arith.constant 1.000000e+00 : f32
    %max3A_19 = vector.broadcast %max3A : f32 to vector<2000x1xf32>
    %max3A_20 = arith.maximumf %slice3A, %max3A_19 : vector<2000x1xf32>
    %div3A = vector.broadcast %max3A_20 : vector<2000x1xf32> to vector<2000x128xf32>
    %div3A_21 = arith.divf %concatenate3A, %div3A : vector<2000x128xf32>
    %get3A_22 = arith.constant 0 : index
    %get3A_23 = arith.constant 0 : index
    %get3A_24 = arith.constant 0 : index
    %get3A_25 = vector.load %arg3[%get3A_22, %get3A_23, %get3A_24] : memref<2x2000x64xf32, #tpu.memory_space<vmem>>, vector<1x2000x64xf32>
    %get3A_26 = vector.shape_cast %get3A_25 : vector<1x2000x64xf32> to vector<2000x64xf32>
    %get3A_27 = arith.constant 1 : index
    %get3A_28 = arith.constant 0 : index
    %get3A_29 = arith.constant 0 : index
    %get3A_30 = vector.load %arg3[%get3A_27, %get3A_28, %get3A_29] : memref<2x2000x64xf32, #tpu.memory_space<vmem>>, vector<1x2000x64xf32>
    %get3A_31 = vector.shape_cast %get3A_30 : vector<1x2000x64xf32> to vector<2000x64xf32>
    %concatenate3A_32 = tpu.concatenate %get3A_26, %get3A_31 in 1 : vector<2000x64xf32>, vector<2000x64xf32> -> vector<2000x128xf32>
    %get3A_33 = arith.constant 0 : index
    %get3A_34 = arith.constant 0 : index
    %get3A_35 = arith.constant 0 : index
    %get3A_36 = vector.load %arg4[%get3A_33, %get3A_34, %get3A_35] : memref<2x64x128xf32, #tpu.memory_space<vmem>>, vector<1x64x128xf32>
    %get3A_37 = vector.shape_cast %get3A_36 : vector<1x64x128xf32> to vector<64x128xf32>
    %dot_general3A = arith.constant dense<0.000000e+00> : vector<2000x64xf32>
    %dot_general3A_38 = tpu.matmul %div3A_21, %get3A_37, %dot_general3A {dimension_numbers = #tpu.dot_dimension_numbers<[1], [1], [0], [0], [0, 0, 1, 0], [], []>, transpose_lhs_hint = false} : vector<2000x128xf32>, vector<64x128xf32>, vector<2000x64xf32> -> vector<2000x64xf32>
    %get3A_39 = arith.constant 0 : index
    %get3A_40 = arith.constant 0 : index
    %get3A_41 = arith.constant 0 : index
    %get3A_42 = vector.load %arg5[%get3A_39, %get3A_40, %get3A_41] : memref<2x1x64xf32, #tpu.memory_space<vmem>>, vector<1x1x64xf32>
    %get3A_43 = vector.shape_cast %get3A_42 : vector<1x1x64xf32> to vector<1x64xf32>
    %add3A_44 = vector.broadcast %get3A_43 : vector<1x64xf32> to vector<2000x64xf32>
    %add3A_45 = arith.addf %dot_general3A_38, %add3A_44 : vector<2000x64xf32>
    %get3A_46 = arith.constant 0 : index
    %get3A_47 = arith.constant 0 : index
    %get3A_48 = arith.constant 0 : index
    %get3A_49 = vector.load %arg6[%get3A_46, %get3A_47, %get3A_48] : memref<2x64x128xf32, #tpu.memory_space<vmem>>, vector<1x64x128xf32>
    %get3A_50 = vector.shape_cast %get3A_49 : vector<1x64x128xf32> to vector<64x128xf32>
    %dot_general3A_51 = arith.constant dense<0.000000e+00> : vector<2000x64xf32>
    %dot_general3A_52 = tpu.matmul %concatenate3A_32, %get3A_50, %dot_general3A_51 {dimension_numbers = #tpu.dot_dimension_numbers<[1], [1], [0], [0], [0, 0, 1, 0], [], []>, transpose_lhs_hint = false} : vector<2000x128xf32>, vector<64x128xf32>, vector<2000x64xf32> -> vector<2000x64xf32>
    %add3A_53 = arith.addf %add3A_45, %dot_general3A_52 : vector<2000x64xf32>
    %swap3A = arith.constant 0 : index
    %swap3A_54 = arith.constant 0 : index
    %swap3A_55 = arith.constant 0 : index
    %swap3A_56 = vector.load %arg7[%swap3A, %swap3A_54, %swap3A_55] : memref<2x2000x64xf32, #tpu.memory_space<vmem>>, vector<1x2000x64xf32>
    %swap3A_57 = vector.shape_cast %swap3A_56 : vector<1x2000x64xf32> to vector<2000x64xf32>
    %swap3A_58 = vector.shape_cast %add3A_53 : vector<2000x64xf32> to vector<1x2000x64xf32>
    tpu.vector_store %arg7[%swap3A, %swap3A_54, %swap3A_55], %swap3A_58 {strides = array<i32>} : memref<2x2000x64xf32, #tpu.memory_space<vmem>>, vector<1x2000x64xf32>,
    %get3A_59 = arith.constant 1 : index
    %get3A_60 = arith.constant 0 : index
    %get3A_61 = arith.constant 0 : index
    %get3A_62 = vector.load %arg4[%get3A_59, %get3A_60, %get3A_61] : memref<2x64x128xf32, #tpu.memory_space<vmem>>, vector<1x64x128xf32>
    %get3A_63 = vector.shape_cast %get3A_62 : vector<1x64x128xf32> to vector<64x128xf32>
    %dot_general3A_64 = arith.constant dense<0.000000e+00> : vector<2000x64xf32>
    %dot_general3A_65 = tpu.matmul %div3A_21, %get3A_63, %dot_general3A_64 {dimension_numbers = #tpu.dot_dimension_numbers<[1], [1], [0], [0], [0, 0, 1, 0], [], []>, transpose_lhs_hint = false} : vector<2000x128xf32>, vector<64x128xf32>, vector<2000x64xf32> -> vector<2000x64xf32>
    %get3A_66 = arith.constant 1 : index
    %get3A_67 = arith.constant 0 : index
    %get3A_68 = arith.constant 0 : index
    %get3A_69 = vector.load %arg5[%get3A_66, %get3A_67, %get3A_68] : memref<2x1x64xf32, #tpu.memory_space<vmem>>, vector<1x1x64xf32>
    %get3A_70 = vector.shape_cast %get3A_69 : vector<1x1x64xf32> to vector<1x64xf32>
    %add3A_71 = vector.broadcast %get3A_70 : vector<1x64xf32> to vector<2000x64xf32>
    %add3A_72 = arith.addf %dot_general3A_65, %add3A_71 : vector<2000x64xf32>
    %get3A_73 = arith.constant 1 : index
    %get3A_74 = arith.constant 0 : index
    %get3A_75 = arith.constant 0 : index
    %get3A_76 = vector.load %arg6[%get3A_73, %get3A_74, %get3A_75] : memref<2x64x128xf32, #tpu.memory_space<vmem>>, vector<1x64x128xf32>
    %get3A_77 = vector.shape_cast %get3A_76 : vector<1x64x128xf32> to vector<64x128xf32>
    %dot_general3A_78 = arith.constant dense<0.000000e+00> : vector<2000x64xf32>
    %dot_general3A_79 = tpu.matmul %concatenate3A_32, %get3A_77, %dot_general3A_78 {dimension_numbers = #tpu.dot_dimension_numbers<[1], [1], [0], [0], [0, 0, 1, 0], [], []>, transpose_lhs_hint = false} : vector<2000x128xf32>, vector<64x128xf32>, vector<2000x64xf32> -> vector<2000x64xf32>
    %add3A_80 = arith.addf %add3A_72, %dot_general3A_79 : vector<2000x64xf32>
    %swap3A_81 = arith.constant 1 : index
    %swap3A_82 = arith.constant 0 : index
    %swap3A_83 = arith.constant 0 : index
    %swap3A_84 = vector.load %arg7[%swap3A_81, %swap3A_82, %swap3A_83] : memref<2x2000x64xf32, #tpu.memory_space<vmem>>, vector<1x2000x64xf32>
    %swap3A_85 = vector.shape_cast %swap3A_84 : vector<1x2000x64xf32> to vector<2000x64xf32>
    %swap3A_86 = vector.shape_cast %add3A_80 : vector<2000x64xf32> to vector<1x2000x64xf32>
    tpu.vector_store %arg7[%swap3A_81, %swap3A_82, %swap3A_83], %swap3A_86 {strides = array<i32>} : memref<2x2000x64xf32, #tpu.memory_space<vmem>>, vector<1x2000x64xf32>,
    return
  }
  func.func @transform_0(%arg0: i32) -> (i32, i32, i32) {
    %c0_i32 = arith.constant 0 : i32
    %c0_i32_0 = arith.constant 0 : i32
    %c0_i32_1 = arith.constant 0 : i32
    return %c0_i32, %arg0, %c0_i32_0 : i32, i32, i32
  }
  func.func @transform_1(%arg0: i32) -> (i32, i32, i32) {
    %c0_i32 = arith.constant 0 : i32
    %c0_i32_0 = arith.constant 0 : i32
    %c0_i32_1 = arith.constant 0 : i32
    return %c0_i32, %arg0, %c0_i32_0 : i32, i32, i32
  }
  func.func @transform_2(%arg0: i32) -> (i32, i32, i32) {
    %c0_i32 = arith.constant 0 : i32
    %c0_i32_0 = arith.constant 0 : i32
    %c0_i32_1 = arith.constant 0 : i32
    return %c0_i32, %arg0, %c0_i32_0 : i32, i32, i32
  }
  func.func @transform_3(%arg0: i32) -> (i32, i32, i32) {
    %c0_i32 = arith.constant 0 : i32
    %c0_i32_0 = arith.constant 0 : i32
    %c0_i32_1 = arith.constant 0 : i32
    %c0_i32_2 = arith.constant 0 : i32
    return %c0_i32, %c0_i32_0, %c0_i32_1 : i32, i32, i32
  }
  func.func @transform_4(%arg0: i32) -> (i32, i32, i32) {
    %c0_i32 = arith.constant 0 : i32
    %c0_i32_0 = arith.constant 0 : i32
    %c0_i32_1 = arith.constant 0 : i32
    %c0_i32_2 = arith.constant 0 : i32
    return %c0_i32, %c0_i32_0, %c0_i32_1 : i32, i32, i32
  }
  func.func @transform_5(%arg0: i32) -> (i32, i32, i32) {
    %c0_i32 = arith.constant 0 : i32
    %c0_i32_0 = arith.constant 0 : i32
    %c0_i32_1 = arith.constant 0 : i32
    %c0_i32_2 = arith.constant 0 : i32
    return %c0_i32, %c0_i32_0, %c0_i32_1 : i32, i32, i32
  }
  func.func @transform_6(%arg0: i32) -> (i32, i32, i32) {
    %c0_i32 = arith.constant 0 : i32
    %c0_i32_0 = arith.constant 0 : i32
    %c0_i32_1 = arith.constant 0 : i32
    return %c0_i32, %arg0, %c0_i32_0 : i32, i32, i32
  }
}

</mosaic_0001>

<sc_bundles>
// kernel: kernel.6.cloned.1.call-start
scs
__scs_entry_jumppad:
0x0: {  	(pc) =	sbr.rel $0x88, $3  }
0x1: {  	(tag) =	ssettag $0x0;
	lr =	simm.s32 $0x1  }
0x2: {  	[smem:$0x3F99] =	sst lr;
	_ =	strace $0xD0000000  }
0x3: {  	_ = 	snop  }
0x4: {  	_ = 	snop  }
0x5: {  	_ = 	snop  }
0x6: {  	_ = 	snop  }
0x7: {  	_ = 	snop  }
__scs_overlays_trampoline_lowered:
0x8: {  	[smem:$0x3FA8] =	sst s0  }
0x9: {  	[smem:$0x3FA9] =	sst s1  }
0xa: {  	[smem:$0x3FAA] =	sst s2  }
0xb: {  	[smem:$0x3FAB] =	sst s3  }
0xc: {  	[smem:$0x3FAC] =	sst s4  }
0xd: {  	[smem:$0x3FAD] =	sst s5  }
0xe: {  	[smem:$0x3FAE] =	sst s6  }
0xf: {  	[smem:$0x3FAF] =	sst s7  }
0x10: {  	[smem:$0x3FB0] =	sst s8  }
0x11: {  	[smem:$0x3FB1] =	sst s9;
	s0 =	simm.s32 @!p0 $0x0  }
0x12: {  	s1 =	sld [smem:$0x3F97];
	s0 =	simm.s32 @p0 $0x1  }
0x13: {  	[smem:$0x3FB2] =	sst s0;
	s0 =	simm.s32 @!p1 $0x0  }
0x14: {  	s2 =	sld [smem:$0x3F96];
	s0 =	simm.s32 @p1 $0x1  }
0x15: {  	[smem:$0x3FB3] =	sst s0;
	s0 =	simm.s32 @!p2 $0x0  }
0x16: {  	s3 =	sld [smem:$0x3FDB];
	s0 =	simm.s32 @p2 $0x1  }
0x17: {  	s4 =	simm.s32 $0x1BF5;
	[smem:$0x3FB5] =	sst s0  }
0x18: {  	s0 =	sld [smem:$0x3F98];
	_ =	swait.ge [sflag:s4], $0x0  }
0x19: {  	s7 =	sld [smem:$0x3F99]  }
0x1a: {  	s8 =	sadd.s32 $0xFFFFE003, lr  }
0x1b: {  	s9 =	sadd.s32 $0xFFFFFEF7, lr;
	s5 =	simm.s32 $0xFFFFFFFF;
	p2 =	slt.u32 s8, $0xFFFFF086  }
0x1c: {  	p1 =	slt.u32 s9, $0xF7A;
	s5 =	simm.s32 @!p2 $0x0  }
0x1d: {  	s5 =	simm.s32 @p1 $0x1;
	p0 =	seq.s32 s7, s2  }
0x1e: {  	s7 =	smul.u32 @!p0 $0xF7A, s2;
	p2 =	seq.s32 @!p0 s5, $0x0  }
0x1f: {  	s9 =	smul.u32 $0xF7A, s1;
	s8 =	simm.s32 @!p0 $0x1BF5;
	p2 =	por !p2, p0  }
0x20: {  	[sflag:s8] =	ssyncset.s32 @!p0 $0xFFFFF086;
	s6 =	sadd.s32 @!p0 s3, s7;
	s7 =	simm.s32 @!p0 $0x108  }
0x21: {  	s3 =	sadd.s32 s3, s9;
	s6 =	sadd.s32 @!p0 $0x88, s6;
	s7 =	simm.s32 @p2 $0x1082  }
0x22: {  	[simem:s7], [sflag:s8] =	dma.local @!p0 [hbm:s6], $0xF7A  }
0x23: {  	s9 =	sor.u32 $0xD0000000, s2;
	s6 =	simm.s32 $0x108;
	_ =	swait.ge @!p0 [sflag:s8], $0x0  }
0x24: {  	s3 =	sadd.s32 $0x88, s3;
	s6 =	simm.s32 @!p1 $0x1082;
	[sflag:s4] =	ssyncset.s32 $0xFFFFF086  }
0x25: {  	[simem:s6], [sflag:s4] =	dma.local [hbm:s3], $0xF7A  }
0x26: {  	[smem:$0x3F99] =	sst s1;
	(tag) =	ssettag s2;
	_ =	strace s9  }
0x27: {  	s1 =	sld [smem:$0x3FA9]  }
0x28: {  	s2 =	sld [smem:$0x3FAA]  }
0x29: {  	s4 =	sld [smem:$0x3FAC]  }
0x2a: {  	p0 =	seq.s32 s5, $0x0;
	s5 =	sld [smem:$0x3FAD]  }
0x2b: {  	s6 =	sld [smem:$0x3FAE]  }
0x2c: {  	s7 =	sld [smem:$0x3FAF]  }
0x2d: {  	s3 =	simm.s32 $0x108;
	s8 =	sld [smem:$0x3FB0]  }
0x2e: {  	s3 =	simm.s32 @!p0 $0x1082;
	s9 =	sld [smem:$0x3FB1]  }
0x2f: {  	lr =	sadd.s32 s0, s3;
	s0 =	sld [smem:$0x3FA8]  }
0x30: {  	s3 =	sld [smem:$0x3FAB]  }
0x31: {  	[smem:$0x3FB4] =	sst s10  }
0x32: {  	s10 =	sld [smem:$0x3FB2];
	_ =	sdelay $0x3  }
0x33: {  	p0 =	seq.s32 s10, $0x1;
	s10 =	sld [smem:$0x3FB4];
	_ =	sdelay $0x3  }
0x34: {  	[smem:$0x3FB4] =	sst s10  }
0x35: {  	s10 =	sld [smem:$0x3FB3];
	_ =	sdelay $0x3  }
0x36: {  	p1 =	seq.s32 s10, $0x1;
	s10 =	sld [smem:$0x3FB4];
	_ =	sdelay $0x3  }
0x37: {  	[smem:$0x3FB4] =	sst s10  }
0x38: {  	s10 =	sld [smem:$0x3FB5]  }
0x39: {  	_ = 	snop;
	(pc) =	sbr.ind lr, $3  }
0x3a: {  	_ = 	snop  }
0x3b: {  	_ = 	snop  }
0x3c: {  	p2 =	seq.s32 s10, $0x1;
	s10 =	sld [smem:$0x3FB4]  }
0x3d: {  	_ =	shalt  }
0x3e: {  	_ =	shalt  }
0x3f: {  	_ =	shalt  }
0x40: {  	_ =	shalt  }
0x41: {  	_ =	shalt  }
0x42: {  	_ =	shalt  }
0x43: {  	_ =	shalt  }
0x44: {  	_ =	shalt  }
0x45: {  	_ =	shalt  }
0x46: {  	_ =	shalt  }
0x47: {  	_ =	shalt  }
0x48: {  	_ =	shalt  }
0x49: {  	_ =	shalt  }
0x4a: {  	_ =	shalt  }
0x4b: {  	_ =	shalt  }
0x4c: {  	_ =	shalt  }
0x4d: {  	_ =	shalt  }
0x4e: {  	_ =	shalt  }
0x4f: {  	_ =	shalt  }
0x50: {  	_ =	shalt  }
0x51: {  	_ =	shalt  }
0x52: {  	_ =	shalt  }
0x53: {  	_ =	shalt  }
0x54: {  	_ =	shalt  }
0x55: {  	_ =	shalt  }
0x56: {  	_ =	shalt  }
0x57: {  	_ =	shalt  }
0x58: {  	_ =	shalt  }
0x59: {  	_ =	shalt  }
0x5a: {  	_ =	shalt  }
0x5b: {  	_ =	shalt  }
0x5c: {  	_ =	shalt  }
0x5d: {  	_ =	shalt  }
0x5e: {  	_ =	shalt  }
0x5f: {  	_ =	shalt  }
0x60: {  	_ =	shalt  }
0x61: {  	_ =	shalt  }
0x62: {  	_ =	shalt  }
0x63: {  	_ =	shalt  }
0x64: {  	_ =	shalt  }
0x65: {  	_ =	shalt  }
0x66: {  	_ =	shalt  }
0x67: {  	_ =	shalt  }
0x68: {  	_ =	shalt  }
0x69: {  	_ =	shalt  }
0x6a: {  	_ =	shalt  }
0x6b: {  	_ =	shalt  }
0x6c: {  	_ =	shalt  }
0x6d: {  	_ =	shalt  }
0x6e: {  	_ =	shalt  }
0x6f: {  	_ =	shalt  }
0x70: {  	_ =	shalt  }
0x71: {  	_ =	shalt  }
0x72: {  	_ =	shalt  }
0x73: {  	_ =	shalt  }
0x74: {  	_ =	shalt  }
0x75: {  	_ =	shalt  }
0x76: {  	_ =	shalt  }
0x77: {  	_ =	shalt  }
0x78: {  	_ =	shalt  }
0x79: {  	_ =	shalt  }
0x7a: {  	_ =	shalt  }
0x7b: {  	_ =	shalt  }
0x7c: {  	_ =	shalt  }
0x7d: {  	_ =	shalt  }
0x7e: {  	_ =	shalt  }
0x7f: {  	_ =	shalt  }
0x80: {  	_ =	shalt  }
0x81: {  	_ =	shalt  }
0x82: {  	_ =	shalt  }
0x83: {  	_ =	shalt  }
0x84: {  	_ =	shalt  }
0x85: {  	_ =	shalt  }
0x86: {  	_ =	shalt  }
0x87: {  	_ =	shalt  }
.Lfunc_end0:
.L_simem_size_0:
called_computation_lowered:
.L_overlay_start_0:
0x88: {  	s2 =	sld [smem:$0x3FD9]  }
0x89: {  	s3 =	sld [smem:$0x3FFE];
	_ =	sdelay $0x1  }
0x8a: {  	s1 =	srdreg.scid  }
0x8b: {  	s0 =	sand.u32 $0x1, s1  }
0x8c: {  	s17 =	sshll.u32 s0, $0xA;
	s2 =	sadd.s32 s3, s2  }
0x8d: {  	s2 =	sadd.s32 s2, s17  }
0x8e: {  	[smem:$0x3FC0] =	sst s2  }
0x8f: {  	_ = 	snop  }
0x90: {  	s2 =	sld [smem:$0x3FD0];
	(tm) =	ssettm $0x1  }
0x91: {  	s18 =	sld [smem:$0x3FFB];
	_ =	sdelay $0x3  }
0x92: {  	_ =	strace s18  }
0x93: {  	s3 =	sld [smem:$0x3FFC];
	_ =	sdelay $0x3  }
0x94: {  	_ =	strace s3  }
0x95: {  	s3 =	sld [smem:$0x3FFD];
	_ =	sdelay $0x3  }
0x96: {  	_ =	strace s3  }
0x97: {  	_ =	strace $0x8FFFFFFF  }
0x98: {  	s19 =	sld [smem:$0x3FDB];
	_ =	sdelay $0x1  }
0x99: {  	s4 =	simm.s32 $_scs_section_size  }
0x9a: {  	s5 =	simm.s32 $_size__tile_overlayer_lowered;
	s6 =	simm.s32 $_tile_overlayer_lowered  }
0x9b: {  	s22 =	simm.s32 $0x1BFF;
	s21 =	sshll.u32 s6, $0x1;
	s3 =	sadd.s32 s4, s19  }
0x9c: {  	s7 =	simm.s32 $0x0;
	s20 =	sshll.u32 s5, $0x1;
	s5 =	sadd.s32 s21, s3  }
0x9d: {  	[timem:s7], [sflag:s22] =	dma.local [hbm:s5], s20  }
0x9e: {  	_ =	swait.ge [sflag:s22], s20  }
0x9f: {  	s4 =	ssub.s32 $0x0, s20;
	[sflag:s22] =	ssyncset.done $0x0  }
0xa0: {  	[sflag:s22] =	ssyncadd.s32 s4;
	_ =	sdelay $0x1  }
0xa1: {  	s23 =	simm.s32 $0x1B8B  }
0xa2: {  	_ =	swait.ge [sflag:s23], $0x1  }
0xa3: {  	[sflag:s23] =	ssyncset.done $0x0  }
0xa4: {  	s25 =	simm.s32 $0x1B8E;
	s24 =	sld [smem:$0x3FFE];
	[sflag:s23] =	ssyncadd.s32 $0xFFFFFFFF  }
0xa5: {  	s26 =	simm.s32 $execute0_lowered;
	[smem:$0x3FD2] =	sst s25  }
0xa6: {  	s5 =	sshll.u32 s26, $0x1;
	_ =	strace $0x80000046;
	[dreg:$0x1] =	wrdreg $0xFFFFFFFF  }
0xa7: {  	s28 =	simm.s32 $_size_execute0_lowered;
	s3 =	sadd.s32 s3, s5;
	[dreg:$0x0] =	wrdreg $0x0  }
0xa8: {  	s5 =	sshll.u32 s28, $0x1;
	[dreg:$0x2] =	wrdreg s3  }
0xa9: {  	[dreg:$0x3] =	wrdreg s5  }
0xaa: {  	[dreg:$0x4] =	wrdreg $0xC0  }
0xab: {  	_ =	task [dreg:s7], $0x5FFFF  }
0xac: {  	[dreg:$0x1] =	wrdreg $0xFFFFFFFF  }
0xad: {  	[dreg:$0x0] =	wrdreg $0x60  }
0xae: {  	[dreg:$0x2] =	wrdreg s2  }
0xaf: {  	[dreg:$0x3] =	wrdreg s24  }
0xb0: {  	[dreg:$0x4] =	wrdreg $0x10E500  }
0xb1: {  	[dreg:$0x5] =	wrdreg $0x1AE500  }
0xb2: {  	[dreg:$0x6] =	wrdreg $0x9  }
0xb3: {  	_ =	task.clear_ibuf [dreg:s7], $0x7FFFF;
	_ =	strace $0x90000046  }
0xb4: {  	s29 =	simm.s32 $0x9;
	_ =	strace $0x80000048  }
0xb5: {  	_ =	swait.ge [sflag:s29], $0x1  }
0xb6: {  	[sflag:s29] =	ssyncadd.s32 $0xFFFFFFFF  }
0xb7: {  	_ =	strace $0x90000048  }
0xb8: {  	_ =	sfence  }
0xb9: {  	s30 =	sld [smem:$0x0];
	_ =	sdelay $0x2  }
0xba: {  	s31 =	sshll.u32 s1, $0xD;
	s1 =	sshrl.u32 s1, $0x2  }
0xbb: {  	s3 =	sand.u32 $0x4000, s31;
	s1 =	sadd.s32 s1, s30  }
0xbc: {  	s0 =	sor.u32 s3, s0;
	s1 =	sshll.u32 s1, $0x11  }
0xbd: {  	s0 =	sor.u32 s1, s0  }
0xbe: {  	s0 =	sadd.s32 $0x8F2B, s0  }
0xbf: {  	[sflag:s0] =	ssyncadd.remote.s32 $0x1  }
0xc0: {  	_ =	sfence.sel $0xFFFF  }
0xc1: {  	[dreg:$0x0] =	wrdreg $0xFFFFFFFF;
	(pc) =	sbr.abs _section_cstart, $3  }
0xc2: {  	[dreg:$0x1] =	wrdreg $0xFFFFFFFF  }
0xc3: {  	_ =	task.clear_ibuf [dreg:s7], $0x2FFFF;
	_ =	strace $0x9FFFFFFF  }
0xc4: {  	(tm) =	ssettm $0x7FFFFFFF  }
0xc5: {  	_ =	shalt  }
tec
execute0_lowered:
.L_overlay_start_1:
0x0: {  	(tag) =	ssettag $0x1  }
0x1: {  	s5 =	rddreg [dreg:$0x0]  }
0x2: {  	s0 =	rddreg [dreg:$0x1]  }
0x3: {  	s2 =	rddreg [dreg:$0x2];
	s12 =	stileid.u32  }
0x4: {  	s3 =	srdreg.scid;
	s1 =	smul.u32 $0xA00, s12  }
0x5: {  	s4 =	rddreg [dreg:$0x3];
	s8 =	simm.s32 $0x0;
	s7 =	smul.u32 $0xA000, s12  }
0x6: {  	s28 =	simm.s32 $0x1;
	s29 =	simm.s32 $0x2;
	s23 =	smul.u32 $0x2800, s12  }
0x7: {  	s30 =	simm.s32 $0x7D;
	s3 =	sand.u32 $0x1, s3;
	s12 =	smul.u32 $0x280, s12  }
0x8: {  	s31 =	simm.s32 $0xA000;
	[smem:$0x7FF] =	sst s8;
	s6 =	smul.u32 $0xA0000, s3  }
0x9: {  	_ =	strace $0x80000047;
	s10 =	smul.u32 $0x28000, s3;
	s11 =	ssub.s32 $0x2, s3  }
0xa: {  	p0 =	seq.s32 s3, $0x0;
	p1 =	sne.s32 s3, $0x0;
	s3 =	simm.s32 $0xBF40  }
0xb: {  	s1 =	sadd.s32 s1, s0;
	s25 =	sshrl.u32 s11, $0x1;
	s26 =	sadd.s32 $0x80, s12  }
0xc: {  	s17 =	sadd.s32 $0x100, s12;
	s9 =	sadd.s32 s7, s6;
	s6 =	sadd.s32 $0x1A00, s0  }
0xd: {  	s10 =	sadd.s32 s23, s10;
	s15 =	sadd.s32 $0x1F400, s1;
	s1 =	sadd.s32 $0x15400, s1  }
0xe: {  	s16 =	sshll.u32 s26, $0x6;
	s18 =	sshll.u32 s17, $0x6;
	s21 =	sshll.u32 s26, $0x4  }
0xf: {  	s9 =	sshrl.u32 s9, $0x3;
	s24 =	sshrl.u32 s10, $0x3;
	[dreg:$0x5] =	wrdreg s15  }
0x10: {  	s10 =	ssub.s32 s11, s25;
	[dreg:$0x6] =	wrdreg s1;
	s1 =	sadd.s32 s16, s2  }
0x11: {  	s15 =	sadd.s32 $0x180, s12;
	s12 =	sadd.s32 $0x200, s12;
	s13 =	sadd.s32 s9, s0  }
0x12: {  	s9 =	sadd.s32 s7, s2;
	[dreg:$0x7] =	wrdreg s1;
	s7 =	sadd.s32 s18, s2  }
0x13: {  	s19 =	sshll.u32 s15, $0x6;
	s26 =	smax.u32 s10, $0x1;
	[dreg:$0x8] =	wrdreg s7  }
0x14: {  	s14 =	sshll.u32 s12, $0x6;
	s7 =	sadd.s32 s19, s2;
	[dreg:$0x11] =	wrdreg s26  }
0x15: {  	s1 =	sshll.u32 s17, $0x4;
	s20 =	sadd.s32 s14, s2;
	[dreg:$0x9] =	wrdreg s7  }
0x16: {  	s0 =	sadd.s32 s24, s0;
	s1 =	sadd.s32 s1, s4;
	[dreg:$0xa] =	wrdreg s20  }
0x17: {  	s22 =	sshll.u32 s15, $0x4;
	s25 =	sadd.s32 $0x33400, s13;
	[dreg:$0xc] =	wrdreg s1  }
0x18: {  	s14 =	sadd.s32 s23, s4;
	s0 =	sadd.s32 $0x29400, s0;
	[dreg:$0xf] =	wrdreg s25  }
0x19: {  	s23 =	sshll.u32 s12, $0x4;
	s7 =	sadd.s32 s21, s4;
	[dreg:$0x10] =	wrdreg s0  }
0x1a: {  	s26 =	simm.s32 $0x10650;
	s1 =	sadd.s32 s22, s4;
	[dreg:$0xb] =	wrdreg s7  }
0x1b: {  	s24 =	sadd.s32 s23, s4;
	s0 =	smov.u32 s6;
	[dreg:$0xd] =	wrdreg s1  }
0x1c: {  	s25 =	simm.s32 $0x3;
	[dreg:$0xe] =	wrdreg s24;
	s0 =	smov.u32 @p0 s5  }
0x1d: {  	v0 =	vimm.f32 $0.0e+00;
	v1 =	vimm.f32 $1.000000000e+00;
	s23 =	simm.s32 $0x0;
	s24 =	simm.s32 $0xE650;
	[dreg:$0x12] =	wrdreg s0  }
.LBB2_1:
0x1e: {  	s0 =	simm.s32 $0x0;
	s1 =	rddreg [dreg:$0x5]  }
0x1f: {  	[tilespmem:s0], [sflag:$0x1] =	stream.linear.gather [hbm4b:s1+s0], $0x5000, $0x38;
	[tilespmem:$0x1D650] =	vst v63  }
0x20: {  	s22 =	rddreg [dreg:$0x6];
	s7 =	simm.s32 $0x5000  }
0x21: {  	[tilespmem:s7], [sflag:$0x2] =	stream.linear.gather [hbm4b:s22+s0], $0x5000, $0x38;
	[tilespmem:$0x1D650] =	vst v63  }
0x22: {  	s1 =	simm.s32 $0x100;
	s0 =	simm.s32 $0x0  }
.LBB2_2:
0x23: {  	p2 =	sne.s32 s1, $0x7F00;
	[tilespmem:s0+$0xE680] =	vst v0;
	s7 =	smov.u32 s1;
	s1 =	sadd.s32 $0x100, s1  }
.Ltmp0:
0x24: {  	[tilespmem:s0+$0xE670] =	vst v0;
	(pc) =	sbr.rel @p2 .LBB2_2-.Ltmp0, $3  }
0x25: {  	[tilespmem:s0+$0xE650] =	vst v0  }
0x26: {  	[tilespmem:s0+$0xE660] =	vst v0;
	_ =	sdelay $0x1  }
0x27: {  	s0 =	sshra.s32 s7, $0x2  }
0x28: {  	[tilespmem:s0+$0xE680] =	vst v0  }
0x29: {  	[tilespmem:s0+$0xE670] =	vst v0  }
0x2a: {  	[tilespmem:s0+$0xE650] =	vst v0  }
0x2b: {  	[tilespmem:s0+$0xE660] =	vst v0  }
0x2c: {  	[spmem:s9] =	stream.linear.scatter [tilespmem:s24], [sflag:$0x3], $0x2000, $0x38;
	[tilespmem:$0x1D650] =	vst v63  }
0x2d: {  	_ =	swait.ge [sflag:s25], $0x2000  }
0x2e: {  	[sflag:s25] =	ssyncset.done $0x0  }
0x2f: {  	s19 =	rddreg [dreg:$0x7];
	[sflag:s25] =	ssyncadd.s32 $0xFFFFE000  }
0x30: {  	[spmem:s19] =	stream.linear.scatter [tilespmem:s24], [sflag:$0x3], $0x2000, $0x38;
	[tilespmem:$0x1D650] =	vst v63  }
0x31: {  	_ =	swait.ge [sflag:s25], $0x2000  }
0x32: {  	[sflag:s25] =	ssyncset.done $0x0  }
0x33: {  	s20 =	rddreg [dreg:$0x8];
	[sflag:s25] =	ssyncadd.s32 $0xFFFFE000  }
0x34: {  	[spmem:s20] =	stream.linear.scatter [tilespmem:s24], [sflag:$0x3], $0x2000, $0x38;
	[tilespmem:$0x1D650] =	vst v63  }
0x35: {  	_ =	swait.ge [sflag:s25], $0x2000  }
0x36: {  	[sflag:s25] =	ssyncset.done $0x0  }
0x37: {  	s21 =	rddreg [dreg:$0x9];
	[sflag:s25] =	ssyncadd.s32 $0xFFFFE000  }
0x38: {  	[spmem:s21] =	stream.linear.scatter [tilespmem:s24], [sflag:$0x3], $0x2000, $0x38;
	[tilespmem:$0x1D650] =	vst v63  }
0x39: {  	_ =	swait.ge [sflag:s25], $0x2000  }
0x3a: {  	[sflag:s25] =	ssyncset.done $0x0  }
0x3b: {  	s22 =	rddreg [dreg:$0xa];
	[sflag:s25] =	ssyncadd.s32 $0xFFFFE000  }
0x3c: {  	[spmem:s22] =	stream.linear.scatter [tilespmem:s24], [sflag:$0x3], $0x2000, $0x38;
	[tilespmem:$0x1D650] =	vst v63  }
0x3d: {  	_ =	swait.ge [sflag:s25], $0x2000  }
0x3e: {  	[sflag:s25] =	ssyncset.done $0x0  }
0x3f: {  	s0 =	simm.s32 $0x40;
	s1 =	simm.s32 $0x0;
	[sflag:s25] =	ssyncadd.s32 $0xFFFFE000  }
.LBB2_4:
0x40: {  	p2 =	sne.s32 s0, $0x1FC0;
	[tilespmem:s1+$0x10650] =	vst v0;
	s1 =	smov.u32 s0;
	s0 =	sadd.s32 $0x40, s0  }
.Ltmp1:
0x41: {  	(pc) =	sbr.rel @p2 .LBB2_4-.Ltmp1, $2  }
0x42: {  	_ =	sdelay $0x2  }
0x43: {  	s1 =	sshra.s32 s1, $0x2  }
0x44: {  	[tilespmem:s1+$0x10650] =	vst v0  }
0x45: {  	[spmem:s14] =	stream.linear.scatter [tilespmem:s26], [sflag:$0x3], $0x800, $0x38;
	[tilespmem:$0x1D650] =	vst v63  }
0x46: {  	_ =	swait.ge [sflag:s25], $0x800  }
0x47: {  	[sflag:s25] =	ssyncset.done $0x0  }
0x48: {  	s0 =	rddreg [dreg:$0xb];
	[sflag:s25] =	ssyncadd.s32 $0xFFFFF800  }
0x49: {  	[spmem:s0] =	stream.linear.scatter [tilespmem:s26], [sflag:$0x3], $0x800, $0x38;
	[tilespmem:$0x1D650] =	vst v63  }
0x4a: {  	_ =	swait.ge [sflag:s25], $0x800  }
0x4b: {  	[sflag:s25] =	ssyncset.done $0x0  }
0x4c: {  	s20 =	rddreg [dreg:$0xc];
	[sflag:s25] =	ssyncadd.s32 $0xFFFFF800  }
0x4d: {  	[spmem:s20] =	stream.linear.scatter [tilespmem:s26], [sflag:$0x3], $0x800, $0x38;
	[tilespmem:$0x1D650] =	vst v63  }
0x4e: {  	_ =	swait.ge [sflag:s25], $0x800  }
0x4f: {  	[sflag:s25] =	ssyncset.done $0x0  }
0x50: {  	s21 =	rddreg [dreg:$0xd];
	[sflag:s25] =	ssyncadd.s32 $0xFFFFF800  }
0x51: {  	[spmem:s21] =	stream.linear.scatter [tilespmem:s26], [sflag:$0x3], $0x800, $0x38;
	[tilespmem:$0x1D650] =	vst v63  }
0x52: {  	_ =	swait.ge [sflag:s25], $0x800  }
0x53: {  	[sflag:s25] =	ssyncset.done $0x0  }
0x54: {  	s22 =	rddreg [dreg:$0xe];
	[sflag:s25] =	ssyncadd.s32 $0xFFFFF800  }
0x55: {  	[spmem:s22] =	stream.linear.scatter [tilespmem:s26], [sflag:$0x3], $0x800, $0x38;
	[tilespmem:$0x1D650] =	vst v63  }
0x56: {  	_ =	swait.ge [sflag:s25], $0x800  }
0x57: {  	[sflag:s25] =	ssyncset.done $0x0  }
0x58: {  	s1 =	simm.s32 $0x0;
	s0 =	simm.s32 $0x40;
	[sflag:s25] =	ssyncadd.s32 $0xFFFFF800  }
.LBB2_6:
0x59: {  	p2 =	sne.s32 s0, $0x1F00;
	[tilespmem:s1+$0xDE80] =	vst v1;
	s1 =	smov.u32 s0;
	s0 =	sadd.s32 $0x40, s0  }
.Ltmp2:
0x5a: {  	(pc) =	sbr.rel @p2 .LBB2_6-.Ltmp2, $2  }
0x5b: {  	_ =	sdelay $0x2  }
0x5c: {  	s1 =	sshra.s32 s1, $0x2  }
0x5d: {  	[tilespmem:s1+$0xDE80] =	vst v1  }
0x5e: {  	_ =	swait.ge [sflag:s28], $0x5000  }
0x5f: {  	[sflag:s28] =	ssyncset.done $0x0  }
0x60: {  	[sflag:s28] =	ssyncadd.s32 $0xFFFFB000  }
0x61: {  	_ =	swait.ge [sflag:s29], $0x5000  }
0x62: {  	[sflag:s29] =	ssyncset.done $0x0  }
0x63: {  	[sflag:s29] =	ssyncadd.s32 $0xFFFFB000  }
0x64: {  	[bflag:$0x0] =	sbarrier.arrive $0xFFFF  }
0x65: {  	s0 =	simm.s32 $0x0;
	s20 =	rddreg [dreg:$0x12]  }
0x66: {  	[tilespmem:s31], [sflag:$0x1] =	stream.indirect.gather [hbm4b:s20+s30], $0x40, s0, s30, $0xb8;
	[tilespmem:$0x1D650] =	vst v63  }
0x67: {  	s8 =	simm.s32 @p1 $0x7D;
	s7 =	simm.s32 @p1 $0xBF40;
	s1 =	simm.s32 $0x80  }
0x68: {  	[tilespmem:s7], [sflag:$0x2] =	stream.indirect.gather @p1 [hbm4b:s6+s8], $0x40, s1, s8, $0xb8;
	[tilespmem:$0x1D650] =	vst v63  }
0x69: {  	s11 =	simm.s32 @p1 $0x5080;
	s10 =	simm.s32 @p1 $0xDE80;
	s0 =	simm.s32 @p1 $0x3  }
0x6a: {  	[spmem:s4] =	stream.indirect.scatter.add.f32 @p1 [tilespmem:s10], [sflag:$0x3], $0x10, s11, s8, $0xb8;
	[tilespmem:$0x1D650] =	vst v63  }
0x6b: {  	_ =	swait.ge @p1 [sflag:s0], $0x7D0  }
0x6c: {  	[sflag:s0] =	ssyncset.done @p1 $0x0  }
0x6d: {  	s12 =	simm.s32 @!p1 $0xBF40;
	s11 =	simm.s32 @!p1 $0x7D;
	[sflag:s0] =	ssyncadd.s32 @p1 $0xFFFFF830  }
0x6e: {  	[tilespmem:s12], [sflag:$0x2] =	stream.indirect.gather @!p1 [hbm4b:s5+s11], $0x40, s1, s11, $0xb8;
	[tilespmem:$0x1D650] =	vst v63  }
0x6f: {  	s15 =	simm.s32 @!p1 $0xDE80;
	s16 =	simm.s32 @!p1 $0x3;
	s1 =	simm.s32 @!p1 $0x5000  }
0x70: {  	[spmem:s4] =	stream.indirect.scatter.add.f32 @!p1 [tilespmem:s15], [sflag:$0x3], $0x10, s1, s11, $0xb8;
	[tilespmem:$0x1D650] =	vst v63  }
0x71: {  	_ =	swait.ge @!p1 [sflag:s16], $0x7D0  }
0x72: {  	[sflag:s16] =	ssyncset.done @!p1 $0x0  }
0x73: {  	[sflag:s16] =	ssyncadd.s32 @!p1 $0xFFFFF830  }
0x74: {  	_ =	swait.ge [sflag:s28], $0x1F40  }
0x75: {  	[sflag:s28] =	ssyncset.done $0x0  }
0x76: {  	s21 =	simm.s32 $0x5000;
	[sflag:s28] =	ssyncadd.s32 $0xFFFFE0C0  }
0x77: {  	[spmem:s2] =	stream.indirect.scatter.add.f32 [tilespmem:s31], [sflag:$0x3], $0x40, s21, s30, $0xb8;
	[tilespmem:$0x1D650] =	vst v63  }
0x78: {  	_ =	swait.ge [sflag:s25], $0x1F40  }
0x79: {  	s1 =	smov.u32 s5;
	[sflag:s25] =	ssyncset.done $0x0  }
0x7a: {  	s13 =	simm.s32 $0x100;
	s1 =	smov.u32 @p1 s6;
	[sflag:s25] =	ssyncadd.s32 $0xFFFFE0C0  }
0x7b: {  	[tilespmem:s31], [sflag:$0x1] =	stream.indirect.gather [hbm4b:s1+s30], $0x40, s13, s30, $0xb8;
	[tilespmem:$0x1D650] =	vst v63  }
0x7c: {  	_ =	swait.ge [sflag:s29], $0x1F40  }
0x7d: {  	[sflag:s29] =	ssyncset.done $0x0  }
0x7e: {  	s17 =	simm.s32 $0x400;
	s22 =	simm.s32 $0x5080;
	[sflag:s29] =	ssyncadd.s32 $0xFFFFE0C0  }
0x7f: {  	[spmem:s2] =	stream.indirect.scatter.add.f32 [tilespmem:s3], [sflag:$0x3], $0x40, s22, s30, $0xb8;
	[tilespmem:$0x1D650] =	vst v63  }
0x80: {  	s18 =	simm.s32 $0x800;
	s19 =	simm.s32 @p1 $0x7D;
	_ =	swait.ge [sflag:s25], $0x1F40  }
0x81: {  	s20 =	simm.s32 @p1 $0x100;
	s13 =	simm.s32 $0x100;
	[sflag:s25] =	ssyncset.done $0x0  }
.LBB2_8:
0x82: {  	s21 =	sadd.s32 $0x80, s13;
	[sflag:s25] =	ssyncadd.s32 $0xFFFFE0C0;
	s22 =	smov.u32 s18  }
0x83: {  	[tilespmem:s7], [sflag:$0x2] =	stream.indirect.gather @p1 [hbm4b:s6+s19], $0x40, s21, s19, $0xb8;
	[tilespmem:$0x1D650] =	vst v63  }
0x84: {  	s20 =	sadd.s32 @p1 $0x5080, s20  }
0x85: {  	[spmem:s4] =	stream.indirect.scatter.add.f32 @p1 [tilespmem:s10], [sflag:$0x3], $0x10, s20, s19, $0xb8;
	[tilespmem:$0x1D650] =	vst v63  }
0x86: {  	s18 =	sadd.s32 $0x400, s18;
	s19 =	smov.u32 s8;
	_ =	swait.ge @p1 [sflag:s0], $0x7D0  }
0x87: {  	s17 =	sshra.s32 @!p1 s17, $0x2;
	p2 =	sne.s32 s18, $0x13C00;
	[sflag:s0] =	ssyncset.done @p1 $0x0  }
0x88: {  	[sflag:s0] =	ssyncadd.s32 @p1 $0xFFFFF830  }
0x89: {  	[tilespmem:s12], [sflag:$0x2] =	stream.indirect.gather @!p1 [hbm4b:s5+s11], $0x40, s21, s11, $0xb8;
	[tilespmem:$0x1D650] =	vst v63  }
0x8a: {  	s17 =	sadd.s32 @!p1 $0x5000, s17  }
0x8b: {  	[spmem:s4] =	stream.indirect.scatter.add.f32 @!p1 [tilespmem:s15], [sflag:$0x3], $0x10, s17, s11, $0xb8;
	[tilespmem:$0x1D650] =	vst v63  }
0x8c: {  	s17 =	smov.u32 s22;
	_ =	swait.ge @!p1 [sflag:s16], $0x7D0  }
0x8d: {  	[sflag:s16] =	ssyncset.done @!p1 $0x0  }
0x8e: {  	[sflag:s16] =	ssyncadd.s32 @!p1 $0xFFFFF830  }
0x8f: {  	_ =	swait.ge [sflag:s28], $0x1F40  }
0x90: {  	[sflag:s28] =	ssyncset.done $0x0  }
0x91: {  	s20 =	sadd.s32 $0x5000, s13;
	[sflag:s28] =	ssyncadd.s32 $0xFFFFE0C0  }
0x92: {  	[spmem:s2] =	stream.indirect.scatter.add.f32 [tilespmem:s31], [sflag:$0x3], $0x40, s20, s30, $0xb8;
	[tilespmem:$0x1D650] =	vst v63  }
0x93: {  	_ =	swait.ge [sflag:s25], $0x1F40  }
0x94: {  	[sflag:s25] =	ssyncset.done $0x0  }
0x95: {  	s20 =	sadd.s32 $0x100, s13;
	[sflag:s25] =	ssyncadd.s32 $0xFFFFE0C0  }
0x96: {  	[tilespmem:s31], [sflag:$0x1] =	stream.indirect.gather [hbm4b:s1+s30], $0x40, s20, s30, $0xb8;
	[tilespmem:$0x1D650] =	vst v63  }
0x97: {  	_ =	swait.ge [sflag:s29], $0x1F40  }
.Ltmp3:
0x98: {  	[sflag:s29] =	ssyncset.done $0x0;
	(pc) =	sbr.rel @p2 .LBB2_8-.Ltmp3, $4  }
0x99: {  	s13 =	sadd.s32 $0x5080, s13;
	[sflag:s29] =	ssyncadd.s32 $0xFFFFE0C0  }
0x9a: {  	[spmem:s2] =	stream.indirect.scatter.add.f32 [tilespmem:s3], [sflag:$0x3], $0x40, s13, s30, $0xb8;
	[tilespmem:$0x1D650] =	vst v63  }
0x9b: {  	_ =	swait.ge [sflag:s25], $0x1F40  }
0x9c: {  	s20 =	sshra.s32 @p1 s17, $0x2;
	s13 =	sshra.s32 s17, $0x2;
	[sflag:s25] =	ssyncset.done $0x0  }
0x9d: {  	s8 =	sadd.s32 $0x80, s13;
	[sflag:s25] =	ssyncadd.s32 $0xFFFFE0C0  }
0x9e: {  	[tilespmem:s7], [sflag:$0x2] =	stream.indirect.gather @p1 [hbm4b:s6+s19], $0x40, s8, s19, $0xb8;
	[tilespmem:$0x1D650] =	vst v63  }
0x9f: {  	s10 =	simm.s32 @p1 $0xDE80;
	s7 =	sadd.s32 @p1 $0x5080, s20  }
0xa0: {  	[spmem:s4] =	stream.indirect.scatter.add.f32 @p1 [tilespmem:s10], [sflag:$0x3], $0x10, s7, s19, $0xb8;
	[tilespmem:$0x1D650] =	vst v63  }
0xa1: {  	_ =	swait.ge @p1 [sflag:s0], $0x7D0  }
0xa2: {  	[sflag:s0] =	ssyncset.done @p1 $0x0  }
0xa3: {  	s7 =	simm.s32 @!p1 $0xBF40;
	[sflag:s0] =	ssyncadd.s32 @p1 $0xFFFFF830;
	s0 =	simm.s32 @!p1 $0x7D  }
0xa4: {  	[tilespmem:s7], [sflag:$0x2] =	stream.indirect.gather @!p1 [hbm4b:s5+s0], $0x40, s8, s0, $0xb8;
	[tilespmem:$0x1D650] =	vst v63  }
0xa5: {  	s7 =	sshra.s32 @!p1 s17, $0x2  }
0xa6: {  	s8 =	simm.s32 @!p1 $0xDE80;
	s7 =	sadd.s32 @!p1 $0x5000, s7  }
0xa7: {  	[spmem:s4] =	stream.indirect.scatter.add.f32 @!p1 [tilespmem:s8], [sflag:$0x3], $0x10, s7, s0, $0xb8;
	[tilespmem:$0x1D650] =	vst v63  }
0xa8: {  	s0 =	simm.s32 @!p1 $0x3  }
0xa9: {  	_ =	swait.ge @!p1 [sflag:s0], $0x7D0  }
0xaa: {  	[sflag:s0] =	ssyncset.done @!p1 $0x0  }
0xab: {  	[sflag:s0] =	ssyncadd.s32 @!p1 $0xFFFFF830  }
0xac: {  	_ =	swait.ge [sflag:s28], $0x1F40  }
0xad: {  	[sflag:s28] =	ssyncset.done $0x0  }
0xae: {  	s10 =	sadd.s32 $0x5000, s13;
	[sflag:s28] =	ssyncadd.s32 $0xFFFFE0C0  }
0xaf: {  	[spmem:s2] =	stream.indirect.scatter.add.f32 [tilespmem:s31], [sflag:$0x3], $0x40, s10, s30, $0xb8;
	[tilespmem:$0x1D650] =	vst v63  }
0xb0: {  	_ =	swait.ge [sflag:s25], $0x1F40  }
0xb1: {  	[sflag:s25] =	ssyncset.done $0x0  }
0xb2: {  	s11 =	sadd.s32 $0x100, s13;
	[sflag:s25] =	ssyncadd.s32 $0xFFFFE0C0  }
0xb3: {  	[tilespmem:s31], [sflag:$0x1] =	stream.indirect.gather [hbm4b:s1+s30], $0x40, s11, s30, $0xb8;
	[tilespmem:$0x1D650] =	vst v63  }
0xb4: {  	_ =	swait.ge [sflag:s29], $0x1F40  }
0xb5: {  	[sflag:s29] =	ssyncset.done $0x0  }
0xb6: {  	s12 =	sadd.s32 $0x5080, s13;
	[sflag:s29] =	ssyncadd.s32 $0xFFFFE0C0  }
0xb7: {  	[spmem:s2] =	stream.indirect.scatter.add.f32 [tilespmem:s3], [sflag:$0x3], $0x40, s12, s30, $0xb8;
	[tilespmem:$0x1D650] =	vst v63  }
0xb8: {  	_ =	swait.ge [sflag:s25], $0x1F40  }
0xb9: {  	s7 =	simm.s32 @p0 $0xBF40;
	[sflag:s25] =	ssyncset.done $0x0  }
0xba: {  	s0 =	simm.s32 @p0 $0x7D;
	s1 =	simm.s32 @p0 $0x4F80;
	[sflag:s25] =	ssyncadd.s32 $0xFFFFE0C0  }
0xbb: {  	[tilespmem:s7], [sflag:$0x2] =	stream.indirect.gather @p0 [hbm4b:s5+s0], $0x40, s1, s0, $0xb8;
	[tilespmem:$0x1D650] =	vst v63  }
0xbc: {  	s0 =	simm.s32 @!p0 $0x7D;
	s1 =	simm.s32 @!p0 $0x4F80;
	s7 =	simm.s32 @!p0 $0xBF40  }
0xbd: {  	[tilespmem:s7], [sflag:$0x2] =	stream.indirect.gather @!p0 [hbm4b:s6+s0], $0x40, s1, s0, $0xb8;
	[tilespmem:$0x1D650] =	vst v63  }
0xbe: {  	s0 =	simm.s32 @!p0 $0x9F80  }
0xbf: {  	s13 =	simm.s32 $0xDE80;
	s0 =	simm.s32 @p0 $0x9F00  }
0xc0: {  	[spmem:s4] =	stream.indirect.scatter.add.f32 [tilespmem:s13], [sflag:$0x3], $0x10, s0, s30, $0xb8;
	[tilespmem:$0x1D650] =	vst v63  }
0xc1: {  	_ =	swait.ge [sflag:s25], $0x7D0  }
0xc2: {  	[sflag:s25] =	ssyncset.done $0x0  }
0xc3: {  	[sflag:s25] =	ssyncadd.s32 $0xFFFFF830  }
0xc4: {  	_ =	swait.ge [sflag:s28], $0x1F40  }
0xc5: {  	[sflag:s28] =	ssyncset.done $0x0  }
0xc6: {  	s15 =	simm.s32 $0x9F00;
	[sflag:s28] =	ssyncadd.s32 $0xFFFFE0C0  }
0xc7: {  	[spmem:s2] =	stream.indirect.scatter.add.f32 [tilespmem:s31], [sflag:$0x3], $0x40, s15, s30, $0xb8;
	[tilespmem:$0x1D650] =	vst v63  }
0xc8: {  	_ =	swait.ge [sflag:s25], $0x1F40  }
0xc9: {  	[sflag:s25] =	ssyncset.done $0x0  }
0xca: {  	[sflag:s25] =	ssyncadd.s32 $0xFFFFE0C0  }
0xcb: {  	_ =	swait.ge [sflag:s29], $0x1F40  }
0xcc: {  	[sflag:s29] =	ssyncset.done $0x0  }
0xcd: {  	s16 =	simm.s32 $0x9F80;
	[sflag:s29] =	ssyncadd.s32 $0xFFFFE0C0  }
0xce: {  	[spmem:s2] =	stream.indirect.scatter.add.f32 [tilespmem:s3], [sflag:$0x3], $0x40, s16, s30, $0xb8;
	[tilespmem:$0x1D650] =	vst v63  }
0xcf: {  	_ =	swait.ge [sflag:s25], $0x1F40  }
0xd0: {  	[sflag:s25] =	ssyncset.done $0x0  }
0xd1: {  	s17 =	stileid.u32;
	[sflag:s25] =	ssyncadd.s32 $0xFFFFE0C0  }
0xd2: {  	s0 =	sshll.u32 s17, $0x6;
	[bflag:$0x0] =	sbarrier.arrive $0xFFFF  }
0xd3: {  	s18 =	sshrl.u32 s9, $0x3;
	s0 =	sor.u32 $0x1C03, s0;
	s19 =	rddreg [dreg:$0xf]  }
0xd4: {  	[hbm:s19], [sflag:s0] =	dma.local [spmem:s18], $0x1400  }
0xd5: {  	_ =	swait.ge [sflag:s25], $0x1400  }
0xd6: {  	[sflag:s25] =	ssyncset.done $0x0  }
0xd7: {  	s20 =	sshrl.u32 s14, $0x3;
	s21 =	rddreg [dreg:$0x10];
	[sflag:s25] =	ssyncadd.s32 $0xFFFFEC00  }
0xd8: {  	[hbm:s21], [sflag:s0] =	dma.local [spmem:s20], $0x500  }
0xd9: {  	_ =	swait.ge [sflag:s25], $0x500  }
0xda: {  	s23 =	sadd.s32 $0x1, s23;
	s22 =	rddreg [dreg:$0x11]  }
0xdb: {  	p2 =	sne.s32 s23, s22  }
.Ltmp4:
0xdc: {  	_ = 	snop;
	(pc) =	sbr.rel @p2 .LBB2_1-.Ltmp4, $3  }
0xdd: {  	_ =	sdelay $0x1  }
0xde: {  	[sflag:s25] =	ssyncset.done $0x0  }
0xdf: {  	[sflag:s25] =	ssyncadd.s32 $0xFFFFFB00  }
0xe0: {  	_ =	sfence.sel $0x180000  }
0xe1: {  	[bflag:$0x0] =	sbarrier.arrive $0xFFFF  }
0xe2: {  	_ =	strace $0x90000047  }
0xe3: {  	s0 =	stileid.u32;
	[bflag:$0x2] =	sbarrier.arrive $0xFFFF  }
0xe4: {  	p0 =	sne.s32 s0, $0x0;
	s0 =	rddreg [dreg:$0x4]  }
0xe5: {  	s0 =	sadd.s32 @!p0 $0x100000, s0  }
0xe6: {  	[sflag:s0] =	ssyncadd.tile.s32 @!p0 $0x1;
	_ =	shalt  }
.Lfunc_end2:
_tile_overlayer_lowered:
.L_overlay_start_2:
0xe7: {  	(tag) =	ssettag $0x2  }
0xe8: {  	s0 =	rddreg [dreg:$0x0];
	s2 =	stileid.u32  }
0xe9: {  	s1 =	rddreg [dreg:$0x1];
	p0 =	sne.s32 s2, $0x0  }
0xea: {  	s3 =	rddreg [dreg:$0x2];
	[bflag:$0x3] =	sbarrier.arrive $0xFFFF;
	s2 =	simm.s32 @!p0 $0x1C03  }
0xeb: {  	[timem:s3], [sflag:s2] =	dma.local @!p0 [hbm:s0], s1  }
0xec: {  	s0 =	simm.s32 @!p0 $0x3  }
0xed: {  	_ =	swait.ge @!p0 [sflag:s0], s1  }
0xee: {  	s1 =	ssub.s32 @!p0 $0x0, s1;
	[sflag:s0] =	ssyncset.done @!p0 $0x0  }
0xef: {  	[sflag:s0] =	ssyncadd.s32 @!p0 s1  }
0xf0: {  	[bflag:$0x3] =	sbarrier.arrive $0xFFFF  }
0xf1: {  	_ =	shalt  }

// kernel: kernel.9.cloned.1.call-start
scs
__scs_entry_jumppad:
0x0: {  	(pc) =	sbr.rel $0x88, $3  }
0x1: {  	(tag) =	ssettag $0x0;
	lr =	simm.s32 $0x1  }
0x2: {  	[smem:$0x3F99] =	sst lr;
	_ =	strace $0xD0000000  }
0x3: {  	_ = 	snop  }
0x4: {  	_ = 	snop  }
0x5: {  	_ = 	snop  }
0x6: {  	_ = 	snop  }
0x7: {  	_ = 	snop  }
__scs_overlays_trampoline_lowered:
0x8: {  	[smem:$0x3FA8] =	sst s0  }
0x9: {  	[smem:$0x3FA9] =	sst s1  }
0xa: {  	[smem:$0x3FAA] =	sst s2  }
0xb: {  	[smem:$0x3FAB] =	sst s3  }
0xc: {  	[smem:$0x3FAC] =	sst s4  }
0xd: {  	[smem:$0x3FAD] =	sst s5  }
0xe: {  	[smem:$0x3FAE] =	sst s6  }
0xf: {  	[smem:$0x3FAF] =	sst s7  }
0x10: {  	[smem:$0x3FB0] =	sst s8  }
0x11: {  	[smem:$0x3FB1] =	sst s9;
	s0 =	simm.s32 @!p0 $0x0  }
0x12: {  	s1 =	sld [smem:$0x3F97];
	s0 =	simm.s32 @p0 $0x1  }
0x13: {  	[smem:$0x3FB2] =	sst s0;
	s0 =	simm.s32 @!p1 $0x0  }
0x14: {  	s2 =	sld [smem:$0x3F96];
	s0 =	simm.s32 @p1 $0x1  }
0x15: {  	[smem:$0x3FB3] =	sst s0;
	s0 =	simm.s32 @!p2 $0x0  }
0x16: {  	s3 =	sld [smem:$0x3FDB];
	s0 =	simm.s32 @p2 $0x1  }
0x17: {  	s4 =	simm.s32 $0x1BF5;
	[smem:$0x3FB5] =	sst s0  }
0x18: {  	s0 =	sld [smem:$0x3F98];
	_ =	swait.ge [sflag:s4], $0x0  }
0x19: {  	s7 =	sld [smem:$0x3F99]  }
0x1a: {  	s8 =	sadd.s32 $0xFFFFE003, lr  }
0x1b: {  	s9 =	sadd.s32 $0xFFFFFEF7, lr;
	s5 =	simm.s32 $0xFFFFFFFF;
	p2 =	slt.u32 s8, $0xFFFFF086  }
0x1c: {  	p1 =	slt.u32 s9, $0xF7A;
	s5 =	simm.s32 @!p2 $0x0  }
0x1d: {  	s5 =	simm.s32 @p1 $0x1;
	p0 =	seq.s32 s7, s2  }
0x1e: {  	s7 =	smul.u32 @!p0 $0xF7A, s2;
	p2 =	seq.s32 @!p0 s5, $0x0  }
0x1f: {  	s9 =	smul.u32 $0xF7A, s1;
	s8 =	simm.s32 @!p0 $0x1BF5;
	p2 =	por !p2, p0  }
0x20: {  	[sflag:s8] =	ssyncset.s32 @!p0 $0xFFFFF086;
	s6 =	sadd.s32 @!p0 s3, s7;
	s7 =	simm.s32 @!p0 $0x108  }
0x21: {  	s3 =	sadd.s32 s3, s9;
	s6 =	sadd.s32 @!p0 $0x88, s6;
	s7 =	simm.s32 @p2 $0x1082  }
0x22: {  	[simem:s7], [sflag:s8] =	dma.local @!p0 [hbm:s6], $0xF7A  }
0x23: {  	s9 =	sor.u32 $0xD0000000, s2;
	s6 =	simm.s32 $0x108;
	_ =	swait.ge @!p0 [sflag:s8], $0x0  }
0x24: {  	s3 =	sadd.s32 $0x88, s3;
	s6 =	simm.s32 @!p1 $0x1082;
	[sflag:s4] =	ssyncset.s32 $0xFFFFF086  }
0x25: {  	[simem:s6], [sflag:s4] =	dma.local [hbm:s3], $0xF7A  }
0x26: {  	[smem:$0x3F99] =	sst s1;
	(tag) =	ssettag s2;
	_ =	strace s9  }
0x27: {  	s1 =	sld [smem:$0x3FA9]  }
0x28: {  	s2 =	sld [smem:$0x3FAA]  }
0x29: {  	s4 =	sld [smem:$0x3FAC]  }
0x2a: {  	p0 =	seq.s32 s5, $0x0;
	s5 =	sld [smem:$0x3FAD]  }
0x2b: {  	s6 =	sld [smem:$0x3FAE]  }
0x2c: {  	s7 =	sld [smem:$0x3FAF]  }
0x2d: {  	s3 =	simm.s32 $0x108;
	s8 =	sld [smem:$0x3FB0]  }
0x2e: {  	s3 =	simm.s32 @!p0 $0x1082;
	s9 =	sld [smem:$0x3FB1]  }
0x2f: {  	lr =	sadd.s32 s0, s3;
	s0 =	sld [smem:$0x3FA8]  }
0x30: {  	s3 =	sld [smem:$0x3FAB]  }
0x31: {  	[smem:$0x3FB4] =	sst s10  }
0x32: {  	s10 =	sld [smem:$0x3FB2];
	_ =	sdelay $0x3  }
0x33: {  	p0 =	seq.s32 s10, $0x1;
	s10 =	sld [smem:$0x3FB4];
	_ =	sdelay $0x3  }
0x34: {  	[smem:$0x3FB4] =	sst s10  }
0x35: {  	s10 =	sld [smem:$0x3FB3];
	_ =	sdelay $0x3  }
0x36: {  	p1 =	seq.s32 s10, $0x1;
	s10 =	sld [smem:$0x3FB4];
	_ =	sdelay $0x3  }
0x37: {  	[smem:$0x3FB4] =	sst s10  }
0x38: {  	s10 =	sld [smem:$0x3FB5]  }
0x39: {  	_ = 	snop;
	(pc) =	sbr.ind lr, $3  }
0x3a: {  	_ = 	snop  }
0x3b: {  	_ = 	snop  }
0x3c: {  	p2 =	seq.s32 s10, $0x1;
	s10 =	sld [smem:$0x3FB4]  }
0x3d: {  	_ =	shalt  }
0x3e: {  	_ =	shalt  }
0x3f: {  	_ =	shalt  }
0x40: {  	_ =	shalt  }
0x41: {  	_ =	shalt  }
0x42: {  	_ =	shalt  }
0x43: {  	_ =	shalt  }
0x44: {  	_ =	shalt  }
0x45: {  	_ =	shalt  }
0x46: {  	_ =	shalt  }
0x47: {  	_ =	shalt  }
0x48: {  	_ =	shalt  }
0x49: {  	_ =	shalt  }
0x4a: {  	_ =	shalt  }
0x4b: {  	_ =	shalt  }
0x4c: {  	_ =	shalt  }
0x4d: {  	_ =	shalt  }
0x4e: {  	_ =	shalt  }
0x4f: {  	_ =	shalt  }
0x50: {  	_ =	shalt  }
0x51: {  	_ =	shalt  }
0x52: {  	_ =	shalt  }
0x53: {  	_ =	shalt  }
0x54: {  	_ =	shalt  }
0x55: {  	_ =	shalt  }
0x56: {  	_ =	shalt  }
0x57: {  	_ =	shalt  }
0x58: {  	_ =	shalt  }
0x59: {  	_ =	shalt  }
0x5a: {  	_ =	shalt  }
0x5b: {  	_ =	shalt  }
0x5c: {  	_ =	shalt  }
0x5d: {  	_ =	shalt  }
0x5e: {  	_ =	shalt  }
0x5f: {  	_ =	shalt  }
0x60: {  	_ =	shalt  }
0x61: {  	_ =	shalt  }
0x62: {  	_ =	shalt  }
0x63: {  	_ =	shalt  }
0x64: {  	_ =	shalt  }
0x65: {  	_ =	shalt  }
0x66: {  	_ =	shalt  }
0x67: {  	_ =	shalt  }
0x68: {  	_ =	shalt  }
0x69: {  	_ =	shalt  }
0x6a: {  	_ =	shalt  }
0x6b: {  	_ =	shalt  }
0x6c: {  	_ =	shalt  }
0x6d: {  	_ =	shalt  }
0x6e: {  	_ =	shalt  }
0x6f: {  	_ =	shalt  }
0x70: {  	_ =	shalt  }
0x71: {  	_ =	shalt  }
0x72: {  	_ =	shalt  }
0x73: {  	_ =	shalt  }
0x74: {  	_ =	shalt  }
0x75: {  	_ =	shalt  }
0x76: {  	_ =	shalt  }
0x77: {  	_ =	shalt  }
0x78: {  	_ =	shalt  }
0x79: {  	_ =	shalt  }
0x7a: {  	_ =	shalt  }
0x7b: {  	_ =	shalt  }
0x7c: {  	_ =	shalt  }
0x7d: {  	_ =	shalt  }
0x7e: {  	_ =	shalt  }
0x7f: {  	_ =	shalt  }
0x80: {  	_ =	shalt  }
0x81: {  	_ =	shalt  }
0x82: {  	_ =	shalt  }
0x83: {  	_ =	shalt  }
0x84: {  	_ =	shalt  }
0x85: {  	_ =	shalt  }
0x86: {  	_ =	shalt  }
0x87: {  	_ =	shalt  }
.Lfunc_end0:
.L_simem_size_0:
called_computation.1_lowered:
.L_overlay_start_0:
0x88: {  	s2 =	sld [smem:$0x3FD9]  }
0x89: {  	s3 =	sld [smem:$0x3FFE];
	_ =	sdelay $0x1  }
0x8a: {  	s1 =	srdreg.scid  }
0x8b: {  	s0 =	sand.u32 $0x1, s1  }
0x8c: {  	s17 =	sshll.u32 s0, $0xA;
	s2 =	sadd.s32 s3, s2  }
0x8d: {  	s2 =	sadd.s32 s2, s17  }
0x8e: {  	[smem:$0x3FC0] =	sst s2  }
0x8f: {  	_ = 	snop  }
0x90: {  	s2 =	sld [smem:$0x3FD0];
	(tm) =	ssettm $0x1  }
0x91: {  	s18 =	sld [smem:$0x3FFB];
	_ =	sdelay $0x3  }
0x92: {  	_ =	strace s18  }
0x93: {  	s3 =	sld [smem:$0x3FFC];
	_ =	sdelay $0x3  }
0x94: {  	_ =	strace s3  }
0x95: {  	s3 =	sld [smem:$0x3FFD];
	_ =	sdelay $0x3  }
0x96: {  	_ =	strace s3  }
0x97: {  	_ =	strace $0x8FFFFFFF  }
0x98: {  	s19 =	sld [smem:$0x3FDB];
	_ =	sdelay $0x1  }
0x99: {  	s4 =	simm.s32 $_scs_section_size  }
0x9a: {  	s5 =	simm.s32 $_size__tile_overlayer_lowered;
	s6 =	simm.s32 $_tile_overlayer_lowered  }
0x9b: {  	s22 =	simm.s32 $0x1BFF;
	s21 =	sshll.u32 s6, $0x1;
	s3 =	sadd.s32 s4, s19  }
0x9c: {  	s7 =	simm.s32 $0x0;
	s20 =	sshll.u32 s5, $0x1;
	s5 =	sadd.s32 s21, s3  }
0x9d: {  	[timem:s7], [sflag:s22] =	dma.local [hbm:s5], s20  }
0x9e: {  	_ =	swait.ge [sflag:s22], s20  }
0x9f: {  	s4 =	ssub.s32 $0x0, s20;
	[sflag:s22] =	ssyncset.done $0x0  }
0xa0: {  	[sflag:s22] =	ssyncadd.s32 s4;
	_ =	sdelay $0x1  }
0xa1: {  	s23 =	simm.s32 $0x1B8B  }
0xa2: {  	_ =	swait.ge [sflag:s23], $0x1  }
0xa3: {  	[sflag:s23] =	ssyncset.done $0x0  }
0xa4: {  	s25 =	simm.s32 $0x1B8E;
	s24 =	sld [smem:$0x3FFE];
	[sflag:s23] =	ssyncadd.s32 $0xFFFFFFFF  }
0xa5: {  	s26 =	simm.s32 $execute0_lowered;
	[smem:$0x3FD2] =	sst s25  }
0xa6: {  	s5 =	sshll.u32 s26, $0x1;
	_ =	strace $0x80000049;
	[dreg:$0x1] =	wrdreg $0xFFFFFFFF  }
0xa7: {  	s28 =	simm.s32 $_size_execute0_lowered;
	s3 =	sadd.s32 s3, s5;
	[dreg:$0x0] =	wrdreg $0x0  }
0xa8: {  	s5 =	sshll.u32 s28, $0x1;
	[dreg:$0x2] =	wrdreg s3  }
0xa9: {  	[dreg:$0x3] =	wrdreg s5  }
0xaa: {  	[dreg:$0x4] =	wrdreg $0xC0  }
0xab: {  	_ =	task [dreg:s7], $0x5FFFF  }
0xac: {  	[dreg:$0x1] =	wrdreg $0xFFFFFFFF  }
0xad: {  	[dreg:$0x0] =	wrdreg $0x60  }
0xae: {  	[dreg:$0x2] =	wrdreg s2  }
0xaf: {  	[dreg:$0x3] =	wrdreg s24  }
0xb0: {  	[dreg:$0x4] =	wrdreg $0xFE800  }
0xb1: {  	[dreg:$0x5] =	wrdreg $0x9  }
0xb2: {  	_ =	task.clear_ibuf [dreg:s7], $0x6FFFF;
	_ =	strace $0x90000049  }
0xb3: {  	s29 =	simm.s32 $0x9;
	_ =	strace $0x8000004B  }
0xb4: {  	_ =	swait.ge [sflag:s29], $0x1  }
0xb5: {  	[sflag:s29] =	ssyncadd.s32 $0xFFFFFFFF  }
0xb6: {  	_ =	strace $0x9000004B  }
0xb7: {  	_ =	sfence  }
0xb8: {  	s30 =	sld [smem:$0x0];
	_ =	sdelay $0x2  }
0xb9: {  	s31 =	sshll.u32 s1, $0xD;
	s1 =	sshrl.u32 s1, $0x2  }
0xba: {  	s3 =	sand.u32 $0x4000, s31;
	s1 =	sadd.s32 s1, s30  }
0xbb: {  	s0 =	sor.u32 s3, s0;
	s1 =	sshll.u32 s1, $0x11  }
0xbc: {  	s0 =	sor.u32 s1, s0  }
0xbd: {  	s0 =	sadd.s32 $0x8F2B, s0  }
0xbe: {  	[sflag:s0] =	ssyncadd.remote.s32 $0x1  }
0xbf: {  	_ =	sfence.sel $0xFFFF  }
0xc0: {  	[dreg:$0x0] =	wrdreg $0xFFFFFFFF;
	(pc) =	sbr.abs _section_cstart, $3  }
0xc1: {  	[dreg:$0x1] =	wrdreg $0xFFFFFFFF  }
0xc2: {  	_ =	task.clear_ibuf [dreg:s7], $0x2FFFF;
	_ =	strace $0x9FFFFFFF  }
0xc3: {  	(tm) =	ssettm $0x7FFFFFFF  }
tec
execute0_lowered:
.L_overlay_start_1:
0x0: {  	(tag) =	ssettag $0x1  }
0x1: {  	s2 =	rddreg [dreg:$0x0]  }
0x2: {  	s6 =	rddreg [dreg:$0x1]  }
0x3: {  	s3 =	rddreg [dreg:$0x2];
	s1 =	stileid.u32  }
0x4: {  	s5 =	srdreg.scid;
	s4 =	simm.s32 $0x0;
	s16 =	simm.s32 $0x5000  }
0x5: {  	s17 =	simm.s32 $0xDE80;
	s18 =	simm.s32 $0x3;
	s19 =	simm.s32 $0x1  }
0x6: {  	s20 =	simm.s32 $0x2;
	s21 =	simm.s32 $0x7D;
	s22 =	simm.s32 $0xA000  }
0x7: {  	s23 =	simm.s32 $0xBF40;
	s24 =	simm.s32 $0x9F00;
	s8 =	smul.u32 $0xA000, s1  }
0x8: {  	s25 =	simm.s32 $0x9F80;
	s26 =	simm.s32 $0x0;
	s9 =	smul.u32 $0xA00, s1  }
0x9: {  	s13 =	sand.u32 $0x1, s5;
	[smem:$0x7FF] =	sst s4;
	s10 =	smul.u32 $0x28000, s1  }
0xa: {  	s5 =	sadd.s32 $0x1A00, s6;
	s7 =	smul.u32 $0xA0000, s13;
	_ =	strace $0x8000004A  }
0xb: {  	s11 =	ssub.s32 $0x2, s13;
	p0 =	seq.s32 s13, $0x0;
	s9 =	sadd.s32 s9, s6  }
0xc: {  	s30 =	sshrl.u32 s11, $0x1;
	s31 =	sshrl.u32 s10, $0x2;
	s7 =	sadd.s32 s8, s7  }
0xd: {  	s15 =	ssub.s32 s11, s30;
	s12 =	sadd.s32 s31, s3;
	s8 =	sadd.s32 s8, s3  }
0xe: {  	s7 =	sshrl.u32 s7, $0x3;
	s10 =	sadd.s32 $0x4000, s12;
	s11 =	sadd.s32 $0x6000, s12  }
0xf: {  	s14 =	sadd.s32 s7, s6;
	s6 =	sadd.s32 $0x1F400, s9;
	s7 =	sadd.s32 $0x15400, s9  }
0x10: {  	s13 =	sadd.s32 $0x29400, s14;
	s14 =	smax.u32 s15, $0x1;
	s15 =	smov.u32 s5  }
0x11: {  	v0 =	vimm.f32 $0.0e+00;
	s9 =	sadd.s32 $0x2000, s12;
	s12 =	sadd.s32 $0x8000, s12;
	s15 =	smov.u32 @p0 s2  }
.LBB2_1:
0x12: {  	[tilespmem:s4], [sflag:$0x1] =	stream.linear.gather [hbm4b:s6+s4], $0x5000, $0x38;
	[tilespmem:$0x19E80] =	vst v63  }
0x13: {  	s29 =	simm.s32 $0x100;
	s28 =	simm.s32 $0x0  }
0x14: {  	[tilespmem:s16], [sflag:$0x2] =	stream.linear.gather [hbm4b:s7+s4], $0x5000, $0x38;
	[tilespmem:$0x19E80] =	vst v63  }
.LBB2_2:
0x15: {  	p1 =	sne.s32 s29, $0x7F00;
	[tilespmem:s28+$0xDEB0] =	vst v0;
	s30 =	smov.u32 s29;
	s29 =	sadd.s32 $0x100, s29  }
.Ltmp0:
0x16: {  	[tilespmem:s28+$0xDEA0] =	vst v0;
	(pc) =	sbr.rel @p1 .LBB2_2-.Ltmp0, $3  }
0x17: {  	[tilespmem:s28+$0xDE80] =	vst v0  }
0x18: {  	[tilespmem:s28+$0xDE90] =	vst v0;
	_ =	sdelay $0x1  }
0x19: {  	s28 =	sshra.s32 s30, $0x2  }
0x1a: {  	[tilespmem:s28+$0xDEB0] =	vst v0  }
0x1b: {  	[tilespmem:s28+$0xDEA0] =	vst v0  }
0x1c: {  	[tilespmem:s28+$0xDE80] =	vst v0  }
0x1d: {  	[tilespmem:s28+$0xDE90] =	vst v0  }
0x1e: {  	[spmem:s8] =	stream.linear.scatter [tilespmem:s17], [sflag:$0x3], $0x2000, $0x38;
	[tilespmem:$0x19E80] =	vst v63  }
0x1f: {  	_ =	swait.ge [sflag:s18], $0x2000  }
0x20: {  	[sflag:s18] =	ssyncset.done $0x0  }
0x21: {  	[sflag:s18] =	ssyncadd.s32 $0xFFFFE000  }
0x22: {  	[spmem:s9] =	stream.linear.scatter [tilespmem:s17], [sflag:$0x3], $0x2000, $0x38;
	[tilespmem:$0x19E80] =	vst v63  }
0x23: {  	_ =	swait.ge [sflag:s18], $0x2000  }
0x24: {  	[sflag:s18] =	ssyncset.done $0x0  }
0x25: {  	[sflag:s18] =	ssyncadd.s32 $0xFFFFE000  }
0x26: {  	[spmem:s10] =	stream.linear.scatter [tilespmem:s17], [sflag:$0x3], $0x2000, $0x38;
	[tilespmem:$0x19E80] =	vst v63  }
0x27: {  	_ =	swait.ge [sflag:s18], $0x2000  }
0x28: {  	[sflag:s18] =	ssyncset.done $0x0  }
0x29: {  	[sflag:s18] =	ssyncadd.s32 $0xFFFFE000  }
0x2a: {  	[spmem:s11] =	stream.linear.scatter [tilespmem:s17], [sflag:$0x3], $0x2000, $0x38;
	[tilespmem:$0x19E80] =	vst v63  }
0x2b: {  	_ =	swait.ge [sflag:s18], $0x2000  }
0x2c: {  	[sflag:s18] =	ssyncset.done $0x0  }
0x2d: {  	[sflag:s18] =	ssyncadd.s32 $0xFFFFE000  }
0x2e: {  	[spmem:s12] =	stream.linear.scatter [tilespmem:s17], [sflag:$0x3], $0x2000, $0x38;
	[tilespmem:$0x19E80] =	vst v63  }
0x2f: {  	_ =	swait.ge [sflag:s18], $0x2000  }
0x30: {  	[sflag:s18] =	ssyncset.done $0x0  }
0x31: {  	[sflag:s18] =	ssyncadd.s32 $0xFFFFE000  }
0x32: {  	_ =	swait.ge [sflag:s19], $0x5000  }
0x33: {  	[sflag:s19] =	ssyncset.done $0x0  }
0x34: {  	[sflag:s19] =	ssyncadd.s32 $0xFFFFB000  }
0x35: {  	_ =	swait.ge [sflag:s20], $0x5000  }
0x36: {  	[sflag:s20] =	ssyncset.done $0x0  }
0x37: {  	[sflag:s20] =	ssyncadd.s32 $0xFFFFB000  }
0x38: {  	s28 =	simm.s32 $0x0;
	[bflag:$0x0] =	sbarrier.arrive $0xFFFF  }
0x39: {  	[tilespmem:s22], [sflag:$0x1] =	stream.indirect.gather [hbm4b:s15+s21], $0x40, s28, s21, $0xb8;
	[tilespmem:$0x19E80] =	vst v63  }
0x3a: {  	s28 =	simm.s32 $0x80  }
0x3b: {  	[tilespmem:s23], [sflag:$0x2] =	stream.indirect.gather [hbm4b:s15+s21], $0x40, s28, s21, $0xb8;
	[tilespmem:$0x19E80] =	vst v63  }
0x3c: {  	_ =	swait.ge [sflag:s19], $0x1F40  }
0x3d: {  	[sflag:s19] =	ssyncset.done $0x0  }
0x3e: {  	s28 =	simm.s32 $0x5000;
	[sflag:s19] =	ssyncadd.s32 $0xFFFFE0C0  }
0x3f: {  	[spmem:s3] =	stream.indirect.scatter.add.f32 [tilespmem:s22], [sflag:$0x3], $0x40, s28, s21, $0xb8;
	[tilespmem:$0x19E80] =	vst v63  }
0x40: {  	_ =	swait.ge [sflag:s18], $0x1F40  }
0x41: {  	[sflag:s18] =	ssyncset.done $0x0  }
0x42: {  	s28 =	simm.s32 $0x100;
	[sflag:s18] =	ssyncadd.s32 $0xFFFFE0C0  }
0x43: {  	[tilespmem:s22], [sflag:$0x1] =	stream.indirect.gather [hbm4b:s15+s21], $0x40, s28, s21, $0xb8;
	[tilespmem:$0x19E80] =	vst v63  }
0x44: {  	_ =	swait.ge [sflag:s20], $0x1F40  }
0x45: {  	[sflag:s20] =	ssyncset.done $0x0  }
0x46: {  	s28 =	simm.s32 $0x5080;
	[sflag:s20] =	ssyncadd.s32 $0xFFFFE0C0  }
0x47: {  	[spmem:s3] =	stream.indirect.scatter.add.f32 [tilespmem:s23], [sflag:$0x3], $0x40, s28, s21, $0xb8;
	[tilespmem:$0x19E80] =	vst v63  }
0x48: {  	_ =	swait.ge [sflag:s18], $0x1F40  }
0x49: {  	s29 =	simm.s32 $0x800;
	s28 =	simm.s32 $0x100;
	[sflag:s18] =	ssyncset.done $0x0  }
.LBB2_4:
0x4a: {  	s30 =	sadd.s32 $0x80, s28  }
0x4b: {  	[sflag:s18] =	ssyncadd.s32 $0xFFFFE0C0;
	s31 =	smov.u32 s29;
	s0 =	sadd.s32 $0x400, s29  }
0x4c: {  	[tilespmem:s23], [sflag:$0x2] =	stream.indirect.gather [hbm4b:s15+s21], $0x40, s30, s21, $0xb8;
	[tilespmem:$0x19E80] =	vst v63  }
0x4d: {  	p1 =	sne.s32 s29, $0x13800;
	_ =	swait.ge [sflag:s19], $0x1F40  }
0x4e: {  	[sflag:s19] =	ssyncset.done $0x0  }
0x4f: {  	s29 =	sadd.s32 $0x5000, s28;
	[sflag:s19] =	ssyncadd.s32 $0xFFFFE0C0  }
0x50: {  	[spmem:s3] =	stream.indirect.scatter.add.f32 [tilespmem:s22], [sflag:$0x3], $0x40, s29, s21, $0xb8;
	[tilespmem:$0x19E80] =	vst v63  }
0x51: {  	_ =	swait.ge [sflag:s18], $0x1F40  }
0x52: {  	[sflag:s18] =	ssyncset.done $0x0  }
0x53: {  	s29 =	sadd.s32 $0x100, s28;
	[sflag:s18] =	ssyncadd.s32 $0xFFFFE0C0  }
0x54: {  	[tilespmem:s22], [sflag:$0x1] =	stream.indirect.gather [hbm4b:s15+s21], $0x40, s29, s21, $0xb8;
	[tilespmem:$0x19E80] =	vst v63  }
0x55: {  	_ =	swait.ge [sflag:s20], $0x1F40  }
.Ltmp1:
0x56: {  	[sflag:s20] =	ssyncset.done $0x0;
	(pc) =	sbr.rel @p1 .LBB2_4-.Ltmp1, $4  }
0x57: {  	s28 =	sadd.s32 $0x5080, s28;
	[sflag:s20] =	ssyncadd.s32 $0xFFFFE0C0  }
0x58: {  	[spmem:s3] =	stream.indirect.scatter.add.f32 [tilespmem:s23], [sflag:$0x3], $0x40, s28, s21, $0xb8;
	[tilespmem:$0x19E80] =	vst v63  }
0x59: {  	_ =	swait.ge [sflag:s18], $0x1F40  }
0x5a: {  	s29 =	smov.u32 s0;
	s28 =	sshra.s32 s31, $0x2;
	[sflag:s18] =	ssyncset.done $0x0  }
0x5b: {  	s0 =	sadd.s32 $0x80, s28;
	[sflag:s18] =	ssyncadd.s32 $0xFFFFE0C0  }
0x5c: {  	[tilespmem:s23], [sflag:$0x2] =	stream.indirect.gather [hbm4b:s15+s21], $0x40, s0, s21, $0xb8;
	[tilespmem:$0x19E80] =	vst v63  }
0x5d: {  	_ =	swait.ge [sflag:s19], $0x1F40  }
0x5e: {  	[sflag:s19] =	ssyncset.done $0x0  }
0x5f: {  	s30 =	sadd.s32 $0x5000, s28;
	[sflag:s19] =	ssyncadd.s32 $0xFFFFE0C0  }
0x60: {  	[spmem:s3] =	stream.indirect.scatter.add.f32 [tilespmem:s22], [sflag:$0x3], $0x40, s30, s21, $0xb8;
	[tilespmem:$0x19E80] =	vst v63  }
0x61: {  	_ =	swait.ge [sflag:s18], $0x1F40  }
0x62: {  	[sflag:s18] =	ssyncset.done $0x0  }
0x63: {  	s31 =	sadd.s32 $0x100, s28;
	[sflag:s18] =	ssyncadd.s32 $0xFFFFE0C0  }
0x64: {  	[tilespmem:s22], [sflag:$0x1] =	stream.indirect.gather [hbm4b:s15+s21], $0x40, s31, s21, $0xb8;
	[tilespmem:$0x19E80] =	vst v63  }
0x65: {  	_ =	swait.ge [sflag:s20], $0x1F40  }
0x66: {  	[sflag:s20] =	ssyncset.done $0x0  }
0x67: {  	s29 =	sadd.s32 $0x5080, s28;
	[sflag:s20] =	ssyncadd.s32 $0xFFFFE0C0  }
0x68: {  	[spmem:s3] =	stream.indirect.scatter.add.f32 [tilespmem:s23], [sflag:$0x3], $0x40, s29, s21, $0xb8;
	[tilespmem:$0x19E80] =	vst v63  }
0x69: {  	_ =	swait.ge [sflag:s18], $0x1F40  }
0x6a: {  	s28 =	simm.s32 @p0 $0x4F80;
	[sflag:s18] =	ssyncset.done $0x0  }
0x6b: {  	s0 =	simm.s32 @p0 $0x7D;
	s29 =	simm.s32 @p0 $0xBF40;
	[sflag:s18] =	ssyncadd.s32 $0xFFFFE0C0  }
0x6c: {  	[tilespmem:s29], [sflag:$0x2] =	stream.indirect.gather @p0 [hbm4b:s2+s0], $0x40, s28, s0, $0xb8;
	[tilespmem:$0x19E80] =	vst v63  }
0x6d: {  	s0 =	simm.s32 @!p0 $0x7D;
	s28 =	simm.s32 @!p0 $0x4F80;
	s29 =	simm.s32 @!p0 $0xBF40  }
0x6e: {  	[tilespmem:s29], [sflag:$0x2] =	stream.indirect.gather @!p0 [hbm4b:s5+s0], $0x40, s28, s0, $0xb8;
	[tilespmem:$0x19E80] =	vst v63  }
0x6f: {  	_ =	swait.ge [sflag:s19], $0x1F40  }
0x70: {  	[sflag:s19] =	ssyncset.done $0x0  }
0x71: {  	[sflag:s19] =	ssyncadd.s32 $0xFFFFE0C0  }
0x72: {  	[spmem:s3] =	stream.indirect.scatter.add.f32 [tilespmem:s22], [sflag:$0x3], $0x40, s24, s21, $0xb8;
	[tilespmem:$0x19E80] =	vst v63  }
0x73: {  	_ =	swait.ge [sflag:s18], $0x1F40  }
0x74: {  	[sflag:s18] =	ssyncset.done $0x0  }
0x75: {  	[sflag:s18] =	ssyncadd.s32 $0xFFFFE0C0  }
0x76: {  	_ =	swait.ge [sflag:s20], $0x1F40  }
0x77: {  	[sflag:s20] =	ssyncset.done $0x0  }
0x78: {  	[sflag:s20] =	ssyncadd.s32 $0xFFFFE0C0  }
0x79: {  	[spmem:s3] =	stream.indirect.scatter.add.f32 [tilespmem:s23], [sflag:$0x3], $0x40, s25, s21, $0xb8;
	[tilespmem:$0x19E80] =	vst v63  }
0x7a: {  	s26 =	sadd.s32 $0x1, s26;
	_ =	swait.ge [sflag:s18], $0x1F40  }
0x7b: {  	p1 =	sne.s32 s26, s14;
	[sflag:s18] =	ssyncset.done $0x0  }
0x7c: {  	s30 =	sshll.u32 s1, $0x6;
	s31 =	sshrl.u32 s8, $0x3;
	[sflag:s18] =	ssyncadd.s32 $0xFFFFE0C0  }
.Ltmp2:
0x7d: {  	s0 =	sor.u32 $0x1C03, s30;
	[bflag:$0x0] =	sbarrier.arrive $0xFFFF;
	(pc) =	sbr.rel @p1 .LBB2_1-.Ltmp2, $4  }
0x7e: {  	[hbm:s13], [sflag:s0] =	dma.local [spmem:s31], $0x1400  }
0x7f: {  	_ =	swait.ge [sflag:s18], $0x1400  }
0x80: {  	[sflag:s18] =	ssyncset.done $0x0  }
0x81: {  	[sflag:s18] =	ssyncadd.s32 $0xFFFFEC00  }
0x82: {  	_ =	sfence.sel $0x180000  }
0x83: {  	[bflag:$0x0] =	sbarrier.arrive $0xFFFF  }
0x84: {  	_ =	strace $0x9000004A  }
0x85: {  	[bflag:$0x2] =	sbarrier.arrive $0xFFFF  }
0x86: {  	p0 =	sne.s32 s1, $0x0;
	s0 =	rddreg [dreg:$0x3]  }
0x87: {  	s0 =	sadd.s32 @!p0 $0x100000, s0  }
0x88: {  	[sflag:s0] =	ssyncadd.tile.s32 @!p0 $0x1;
	_ =	shalt  }
.Lfunc_end2:
_tile_overlayer_lowered:
.L_overlay_start_2:
0x89: {  	(tag) =	ssettag $0x2  }
0x8a: {  	s0 =	rddreg [dreg:$0x0];
	s2 =	stileid.u32  }
0x8b: {  	s1 =	rddreg [dreg:$0x1];
	p0 =	sne.s32 s2, $0x0  }
0x8c: {  	s3 =	rddreg [dreg:$0x2];
	[bflag:$0x3] =	sbarrier.arrive $0xFFFF;
	s2 =	simm.s32 @!p0 $0x1C03  }
0x8d: {  	[timem:s3], [sflag:s2] =	dma.local @!p0 [hbm:s0], s1  }
0x8e: {  	s0 =	simm.s32 @!p0 $0x3  }
0x8f: {  	_ =	swait.ge @!p0 [sflag:s0], s1  }
0x90: {  	s1 =	ssub.s32 @!p0 $0x0, s1;
	[sflag:s0] =	ssyncset.done @!p0 $0x0  }
0x91: {  	[sflag:s0] =	ssyncadd.s32 @!p0 s1  }
0x92: {  	[bflag:$0x3] =	sbarrier.arrive $0xFFFF  }
0x93: {  	_ =	shalt  }

</sc_bundles>
